<compile_context>
chip_gen: v7x
topology: tpu7x:2x2x1
jax: 0.10.2.dev20260603
libtpu: 0.0.44.dev20260713+nightly
codegen_flags: <defaults>
</compile_context>

<pallas_src>
import jax
import jax.numpy as jnp
from jax.experimental import pallas as pl

_SHAPE = (640, 480)
_GROUP_NUM = 8
_PATCH = (16, 16)
_H = _SHAPE[1] - 1
_W = _SHAPE[0] - 1
_TIME_DIV = _GROUP_NUM // 2
_PH = (_H + 1) // _PATCH[0]
_PW = (_W + 1) // _PATCH[1]
_TOKEN_NUM = _PH * _PW
_PATCH_SIZE = _PATCH[0] * _PATCH[1]
_TOTAL = _TIME_DIV * 2 * _PATCH_SIZE * _TOKEN_NUM
_B = 0.0001


def _index_kernel(t_ref, xs_ref, ys_ref, p_ref, dt_ref, s_ref,
                  l_ref, w_ref, wt_ref):
    t = t_ref[...]
    xs = xs_ref[...]
    ys = ys_ref[...]
    p = p_ref[...]
    dt = dt_ref[...]
    t0 = s_ref[0]
    wt_scale = s_ref[1]

    w_ref[...] = (p != jnp.float32(2.0)).astype(jnp.float32)
    wt_ref[...] = (t - t0) * wt_scale

    cx = jnp.float32(_W / _PW + _B)
    cy = jnp.float32(_H / _PH + _B)
    cxm = jnp.float32(_W / _PW + 0.0001)
    pos = jnp.floor(xs / cx) + jnp.floor(ys / cy) * jnp.float32(_PW)
    tok = jnp.floor(xs % cxm) + jnp.floor(ys % cy) * jnp.float32((_W + 1) // _PW)

    dt_i = jnp.clip(dt, 0, _TIME_DIV)
    p_i = jnp.clip(p.astype(jnp.int32), 0, 2)
    tok_i = jnp.clip(tok.astype(jnp.int32), 0, _PATCH_SIZE)
    pos_i = jnp.clip(pos.astype(jnp.int32), 0, _TOKEN_NUM)

    l_ref[...] = (dt_i * (2 * _PATCH_SIZE * _TOKEN_NUM)
                  + p_i * (_PATCH_SIZE * _TOKEN_NUM)
                  + tok_i * _TOKEN_NUM
                  + pos_i)


def kernel(x):
    x = x.reshape(-1, 4)
    n = x.shape[0]
    t = x[:, 0]
    xs = x[:, 1]
    ys = x[:, 2]
    p = x[:, 3]

    t0 = t[0]
    tN = t[n - 1]
    wt_scale = 1.0 / (tN - t0 + 0.0001)
    scalars = jnp.stack([t0, wt_scale]).astype(jnp.float32)

    t_d = t.astype(jnp.float64)
    dt = jnp.floor(_TIME_DIV * (t_d - t_d[0]) / (t_d[n - 1] - t_d[0] + 1.0)).astype(jnp.int32)

    chunk = 131072
    chunks = -(-n // chunk)
    n_pad = chunks * chunk
    pad = n_pad - n
    if pad:
        t, xs, ys, p, dt = (jnp.pad(a, (0, pad)) for a in (t, xs, ys, p, dt))

    ev_spec = pl.BlockSpec((chunk,), lambda i: (jnp.int32(i),))
    l, w, wt = pl.pallas_call(
        _index_kernel,
        grid=(chunks,),
        in_specs=[ev_spec, ev_spec, ev_spec, ev_spec, ev_spec,
                  pl.BlockSpec((2,), lambda i: (jnp.int32(0),))],
        out_specs=[ev_spec, ev_spec, ev_spec],
        out_shape=[
            jax.ShapeDtypeStruct((n_pad,), jnp.int32),
            jax.ShapeDtypeStruct((n_pad,), jnp.float32),
            jax.ShapeDtypeStruct((n_pad,), jnp.float32),
        ],
    )(t, xs, ys, p, dt, scalars)
    l, w, wt = l[:n], w[:n], wt[:n]

    hist = jnp.zeros((_TOTAL,), jnp.float32).at[l].add(w)
    hist2 = jnp.zeros((_TOTAL,), jnp.float32).at[l].add(wt)
    hist = hist.reshape(_TIME_DIV, 2, _PATCH_SIZE, _TOKEN_NUM)
    hist2 = hist2.reshape(_TIME_DIV, 2, _PATCH_SIZE, _TOKEN_NUM)
    y = jnp.stack([hist, hist2], axis=2).astype(jnp.float32)
    return y.reshape(1, -1, _PH, _PW)

# --- scband reference (transcript-rebuilt; emitter-appended) ---
"""Pipeline reference for scband-e2-src-module-3092376453877 (READ-ONLY COPY).

The authoritative reference and input builder live on the scoring server;
editing this copy changes nothing except your own understanding.
"""

import jax, jax.numpy as jnp
import numpy as np

jax.config.update("jax_enable_x64", True)

SHAPE = (640, 480)
GROUP_NUM = 8
PATCH = (16, 16)
H = SHAPE[1] - 1  # 479
W = SHAPE[0] - 1  # 639
TIME_DIV = GROUP_NUM // 2  # 4
N_EVENTS = 8000000


def setup_inputs(seed: int = 0) -> dict:
    key = jax.random.key(seed)
    k1, k2, k3, k4 = jax.random.split(key, 4)
    # realistic event stream: monotonically increasing timestamps, coords in sensor range,
    # polarity in {0, 1}; contains no inf so the torch inf-mask is an identity reshape
    t = jnp.sort(jax.random.uniform(k1, (N_EVENTS,), dtype=jnp.float32, minval=0.0, maxval=1.0e6))
    xs = jax.random.uniform(k2, (N_EVENTS,), dtype=jnp.float32, minval=0.0, maxval=float(W) - 1e-3)
    ys = jax.random.uniform(k3, (N_EVENTS,), dtype=jnp.float32, minval=0.0, maxval=float(H) - 1e-3)
    p = jax.random.randint(k4, (N_EVENTS,), 0, 2).astype(jnp.float32)
    x = jnp.stack([t, xs, ys, p], axis=1)
    return {"x": x}


def reference(x):
    # x[x != inf].reshape(-1, 4): inputs contain no inf, so this is identity
    x = x.reshape(-1, 4)
    PH = int((H + 1) / PATCH[0])  # 30
    PW = int((W + 1) / PATCH[1])  # 40
    Token_num = int(PH * PW)      # 1200
    Patch_size = int(PATCH[0] * PATCH[1])  # 256
    b = 0.0001

    w = (x[:, 3] != 2).astype(jnp.float32)
    wt = (x[:, 0] - x[0, 0]) / (x[-1, 0] - x[0, 0] + 0.0001)
    Position = jnp.floor(x[:, 1] / (W / PW + b)) + jnp.floor(x[:, 2] / (H / PH + b)) * PW
    Token = jnp.floor(x[:, 1] % (W / PW + 0.0001)) + jnp.floor(x[:, 2] % (H / PH + b)) * int((W + 1) / PW)
    t_double = x[:, 0].astype(jnp.float64)
    DTime = jnp.floor(TIME_DIV * (t_double - t_double[0]) / (t_double[-1] - t_double[0] + 1.0))

    bins = jnp.array([TIME_DIV, 2, Patch_size, Token_num], dtype=jnp.int32)
    x_nd = jnp.stack([
        DTime,
        x[:, 3].astype(jnp.float64),
        Token.astype(jnp.float64),
        Position.astype(jnp.float64),
    ], axis=0).astype(jnp.int32)  # [4, N]

    # index_mapping: multi-index N-D -> 1-D
    y_idx = jnp.maximum(x_nd, 0)
    y_idx = jnp.minimum(y_idx, bins.reshape(-1, 1))
    index = jnp.flip(
        jnp.concatenate([jnp.ones((1,), jnp.int32), jnp.cumprod(jnp.flip(bins[1:], 0)).astype(jnp.int32)]), 0
    )  # [614400, 307200, 1200, 1]
    l = jnp.sum(index.reshape(-1, 1) * y_idx, axis=0)

    total = int(TIME_DIV * 2 * Patch_size * Token_num)  # index[0] * bins[0] = 2457600
    hist = jnp.bincount(l, weights=w, length=total).reshape(TIME_DIV, 2, Patch_size, Token_num)
    hist2 = jnp.bincount(l, weights=wt, length=total).reshape(TIME_DIV, 2, Patch_size, Token_num)

    y = jnp.stack([hist, hist2], axis=2).astype(jnp.float32)  # [4, 2, 2, 256, 1200]
    return y.reshape(1, -1, PH, PW)  # [1, 4096, 30, 40]

if __name__ == "__main__":
    import jax
    _d = setup_inputs()
    print(jax.jit(kernel)(*tuple(_d.values())))

</pallas_src>

<mosaic_0001>
module attributes {stable_mosaic.version = 14 : i64} {
  func.func @_index_kernel(%arg0: i32, %arg1: memref<131072xf32, #tpu.memory_space<vmem>>, %arg2: memref<131072xf32, #tpu.memory_space<vmem>>, %arg3: memref<131072xf32, #tpu.memory_space<vmem>>, %arg4: memref<131072xf32, #tpu.memory_space<vmem>>, %arg5: memref<131072xi32, #tpu.memory_space<vmem>>, %arg6: memref<2xf32, #tpu.memory_space<vmem>>, %arg7: memref<131072xi32, #tpu.memory_space<vmem>>, %arg8: memref<131072xf32, #tpu.memory_space<vmem>>, %arg9: memref<131072xf32, #tpu.memory_space<vmem>>) attributes {dimension_semantics = [#tpu.dimension_semantics<arbitrary>], iteration_bounds = array<i64: 62>, scalar_prefetch = 0 : i64, scratch_operands = 0 : i64, tpu.core_type = #tpu.core_type<tc>, window_params = [{transform_indices = @transform_0, window_bounds = array<i64: 131072>}, {transform_indices = @transform_1, window_bounds = array<i64: 131072>}, {transform_indices = @transform_2, window_bounds = array<i64: 131072>}, {transform_indices = @transform_3, window_bounds = array<i64: 131072>}, {transform_indices = @transform_4, window_bounds = array<i64: 131072>}, {pipeline_mode = #tpu.pipeline_mode<synchronous>, transform_indices = @transform_5, window_bounds = array<i64: 2>}, {transform_indices = @transform_6, window_bounds = array<i64: 131072>}, {transform_indices = @transform_7, window_bounds = array<i64: 131072>}, {transform_indices = @transform_8, window_bounds = array<i64: 131072>}]} {
    %get3A = arith.constant 0 : index
    %get3A_0 = vector.load %arg1[%get3A] : memref<131072xf32, #tpu.memory_space<vmem>>, vector<131072xf32>
    %get3A_1 = arith.constant 0 : index
    %get3A_2 = vector.load %arg2[%get3A_1] : memref<131072xf32, #tpu.memory_space<vmem>>, vector<131072xf32>
    %get3A_3 = arith.constant 0 : index
    %get3A_4 = vector.load %arg3[%get3A_3] : memref<131072xf32, #tpu.memory_space<vmem>>, vector<131072xf32>
    %get3A_5 = arith.constant 0 : index
    %get3A_6 = vector.load %arg4[%get3A_5] : memref<131072xf32, #tpu.memory_space<vmem>>, vector<131072xf32>
    %get3A_7 = arith.constant 0 : index
    %get3A_8 = vector.load %arg5[%get3A_7] : memref<131072xi32, #tpu.memory_space<vmem>>, vector<131072xi32>
    %get3A_9 = arith.constant 0 : index
    %get3A_10 = vector.load %arg6[%get3A_9] : memref<2xf32, #tpu.memory_space<vmem>>, vector<1xf32>
    %get3A_11 = vector.extract %get3A_10[0] : f32 from vector<1xf32>
    %get3A_12 = arith.constant 1 : index
    %get3A_13 = vector.load %arg6[%get3A_12] : memref<2xf32, #tpu.memory_space<vmem>>, vector<1xf32>
    %get3A_14 = vector.extract %get3A_13[0] : f32 from vector<1xf32>
    %ne3A = arith.constant 2.000000e+00 : f32
    %ne3A_15 = vector.broadcast %ne3A : f32 to vector<131072xf32>
    %ne3A_16 = arith.cmpf one, %get3A_6, %ne3A_15 : vector<131072xf32>
    %convert_element_type3A = arith.extui %ne3A_16 : vector<131072xi1> to vector<131072xi32>
    %convert_element_type3A_17 = arith.sitofp %convert_element_type3A : vector<131072xi32> to vector<131072xf32>
    %swap3A = arith.constant 0 : index
    %swap3A_18 = vector.load %arg8[%swap3A] : memref<131072xf32, #tpu.memory_space<vmem>>, vector<131072xf32>
    tpu.vector_store %arg8[%swap3A], %convert_element_type3A_17 {strides = array<i32>} : memref<131072xf32, #tpu.memory_space<vmem>>, vector<131072xf32>,
    %sub3A = vector.broadcast %get3A_11 : f32 to vector<131072xf32>
    %sub3A_19 = arith.subf %get3A_0, %sub3A : vector<131072xf32>
    %mul3A = vector.broadcast %get3A_14 : f32 to vector<131072xf32>
    %mul3A_20 = arith.mulf %sub3A_19, %mul3A : vector<131072xf32>
    %swap3A_21 = arith.constant 0 : index
    %swap3A_22 = vector.load %arg9[%swap3A_21] : memref<131072xf32, #tpu.memory_space<vmem>>, vector<131072xf32>
    tpu.vector_store %arg9[%swap3A_21], %mul3A_20 {strides = array<i32>} : memref<131072xf32, #tpu.memory_space<vmem>>, vector<131072xf32>,
    %div3A = arith.constant 1.597510e+01 : f32
    %div3A_23 = vector.broadcast %div3A : f32 to vector<131072xf32>
    %div3A_24 = arith.divf %get3A_2, %div3A_23 : vector<131072xf32>
    %floor3A = math.floor %div3A_24 : vector<131072xf32>
    %div3A_25 = arith.constant 15.9667664 : f32
    %div3A_26 = vector.broadcast %div3A_25 : f32 to vector<131072xf32>
    %div3A_27 = arith.divf %get3A_4, %div3A_26 : vector<131072xf32>
    %floor3A_28 = math.floor %div3A_27 : vector<131072xf32>
    %mul3A_29 = arith.constant 4.000000e+01 : f32
    %mul3A_30 = vector.broadcast %mul3A_29 : f32 to vector<131072xf32>
    %mul3A_31 = arith.mulf %floor3A_28, %mul3A_30 : vector<131072xf32>
    %add3A = arith.addf %floor3A, %mul3A_31 : vector<131072xf32>
    %jit3A = arith.constant 1.597510e+01 : f32
    %rem3A = vector.broadcast %jit3A : f32 to vector<131072xf32>
    %rem3A_32 = arith.remf %get3A_2, %rem3A : vector<131072xf32>
    %ne3A_33 = arith.constant 0.000000e+00 : f32
    %ne3A_34 = vector.broadcast %ne3A_33 : f32 to vector<131072xf32>
    %ne3A_35 = arith.cmpf one, %rem3A_32, %ne3A_34 : vector<131072xf32>
    %lt3A = arith.constant 0.000000e+00 : f32
    %lt3A_36 = vector.broadcast %lt3A : f32 to vector<131072xf32>
    %lt3A_37 = arith.cmpf olt, %rem3A_32, %lt3A_36 : vector<131072xf32>
    %lt3A_38 = arith.constant 0.000000e+00 : f32
    %lt3A_39 = arith.cmpf olt, %jit3A, %lt3A_38 : f32
    %ne3A_40 = vector.broadcast %lt3A_39 : i1 to vector<131072xi1>
    %ne3A_41 = vector.broadcast %ne3A_40 : vector<131072xi1> to vector<131072xi1>
    %ne3A_42 = arith.xori %lt3A_37, %ne3A_41 : vector<131072xi1>
    %and3A = arith.andi %ne3A_42, %ne3A_35 : vector<131072xi1>
    %add3A_43 = vector.broadcast %jit3A : f32 to vector<131072xf32>
    %add3A_44 = arith.addf %rem3A_32, %add3A_43 : vector<131072xf32>
    %select_n3A = arith.select %and3A, %add3A_44, %rem3A_32 : vector<131072xi1>, vector<131072xf32>
    %floor3A_45 = math.floor %select_n3A : vector<131072xf32>
    %jit3A_46 = arith.constant 15.9667664 : f32
    %rem3A_47 = vector.broadcast %jit3A_46 : f32 to vector<131072xf32>
    %rem3A_48 = arith.remf %get3A_4, %rem3A_47 : vector<131072xf32>
    %ne3A_49 = arith.constant 0.000000e+00 : f32
    %ne3A_50 = vector.broadcast %ne3A_49 : f32 to vector<131072xf32>
    %ne3A_51 = arith.cmpf one, %rem3A_48, %ne3A_50 : vector<131072xf32>
    %lt3A_52 = arith.constant 0.000000e+00 : f32
    %lt3A_53 = vector.broadcast %lt3A_52 : f32 to vector<131072xf32>
    %lt3A_54 = arith.cmpf olt, %rem3A_48, %lt3A_53 : vector<131072xf32>
    %lt3A_55 = arith.constant 0.000000e+00 : f32
    %lt3A_56 = arith.cmpf olt, %jit3A_46, %lt3A_55 : f32
    %ne3A_57 = vector.broadcast %lt3A_56 : i1 to vector<131072xi1>
    %ne3A_58 = vector.broadcast %ne3A_57 : vector<131072xi1> to vector<131072xi1>
    %ne3A_59 = arith.xori %lt3A_54, %ne3A_58 : vector<131072xi1>
    %and3A_60 = arith.andi %ne3A_59, %ne3A_51 : vector<131072xi1>
    %add3A_61 = vector.broadcast %jit3A_46 : f32 to vector<131072xf32>
    %add3A_62 = arith.addf %rem3A_48, %add3A_61 : vector<131072xf32>
    %select_n3A_63 = arith.select %and3A_60, %add3A_62, %rem3A_48 : vector<131072xi1>, vector<131072xf32>
    %floor3A_64 = math.floor %select_n3A_63 : vector<131072xf32>
    %mul3A_65 = arith.constant 1.600000e+01 : f32
    %mul3A_66 = vector.broadcast %mul3A_65 : f32 to vector<131072xf32>
    %mul3A_67 = arith.mulf %floor3A_64, %mul3A_66 : vector<131072xf32>
    %add3A_68 = arith.addf %floor3A_45, %mul3A_67 : vector<131072xf32>
    %jit3A_69 = arith.constant 0 : i64
    %jit3A_70 = arith.constant 4 : i64
    %convert_element_type3A_71 = arith.trunci %jit3A_69 : i64 to i32
    %max3A = vector.broadcast %convert_element_type3A_71 : i32 to vector<131072xi32>
    %max3A_72 = arith.maxsi %max3A, %get3A_8 : vector<131072xi32>
    %convert_element_type3A_73 = arith.trunci %jit3A_70 : i64 to i32
    %min3A = vector.broadcast %convert_element_type3A_73 : i32 to vector<131072xi32>
    %min3A_74 = arith.minsi %min3A, %max3A_72 : vector<131072xi32>
    %convert_element_type3A_75 = arith.fptosi %get3A_6 : vector<131072xf32> to vector<131072xi32>
    %jit3A_76 = arith.constant 0 : i64
    %jit3A_77 = arith.constant 2 : i64
    %convert_element_type3A_78 = arith.trunci %jit3A_76 : i64 to i32
    %max3A_79 = vector.broadcast %convert_element_type3A_78 : i32 to vector<131072xi32>
    %max3A_80 = arith.maxsi %max3A_79, %convert_element_type3A_75 : vector<131072xi32>
    %convert_element_type3A_81 = arith.trunci %jit3A_77 : i64 to i32
    %min3A_82 = vector.broadcast %convert_element_type3A_81 : i32 to vector<131072xi32>
    %min3A_83 = arith.minsi %min3A_82, %max3A_80 : vector<131072xi32>
    %convert_element_type3A_84 = arith.fptosi %add3A_68 : vector<131072xf32> to vector<131072xi32>
    %jit3A_85 = arith.constant 0 : i64
    %jit3A_86 = arith.constant 256 : i64
    %convert_element_type3A_87 = arith.trunci %jit3A_85 : i64 to i32
    %max3A_88 = vector.broadcast %convert_element_type3A_87 : i32 to vector<131072xi32>
    %max3A_89 = arith.maxsi %max3A_88, %convert_element_type3A_84 : vector<131072xi32>
    %convert_element_type3A_90 = arith.trunci %jit3A_86 : i64 to i32
    %min3A_91 = vector.broadcast %convert_element_type3A_90 : i32 to vector<131072xi32>
    %min3A_92 = arith.minsi %min3A_91, %max3A_89 : vector<131072xi32>
    %convert_element_type3A_93 = arith.fptosi %add3A : vector<131072xf32> to vector<131072xi32>
    %jit3A_94 = arith.constant 0 : i64
    %jit3A_95 = arith.constant 1200 : i64
    %convert_element_type3A_96 = arith.trunci %jit3A_94 : i64 to i32
    %max3A_97 = vector.broadcast %convert_element_type3A_96 : i32 to vector<131072xi32>
    %max3A_98 = arith.maxsi %max3A_97, %convert_element_type3A_93 : vector<131072xi32>
    %convert_element_type3A_99 = arith.trunci %jit3A_95 : i64 to i32
    %min3A_100 = vector.broadcast %convert_element_type3A_99 : i32 to vector<131072xi32>
    %min3A_101 = arith.minsi %min3A_100, %max3A_98 : vector<131072xi32>
    %mul3A_102 = arith.constant 614400 : i32
    %mul3A_103 = vector.broadcast %mul3A_102 : i32 to vector<131072xi32>
    %mul3A_104 = arith.muli %min3A_74, %mul3A_103 : vector<131072xi32>
    %mul3A_105 = arith.constant 307200 : i32
    %mul3A_106 = vector.broadcast %mul3A_105 : i32 to vector<131072xi32>
    %mul3A_107 = arith.muli %min3A_83, %mul3A_106 : vector<131072xi32>
    %add3A_108 = arith.addi %mul3A_104, %mul3A_107 : vector<131072xi32>
    %mul3A_109 = arith.constant 1200 : i32
    %mul3A_110 = vector.broadcast %mul3A_109 : i32 to vector<131072xi32>
    %mul3A_111 = arith.muli %min3A_92, %mul3A_110 : vector<131072xi32>
    %add3A_112 = arith.addi %add3A_108, %mul3A_111 : vector<131072xi32>
    %add3A_113 = arith.addi %add3A_112, %min3A_101 : vector<131072xi32>
    %swap3A_114 = arith.constant 0 : index
    %swap3A_115 = vector.load %arg7[%swap3A_114] : memref<131072xi32, #tpu.memory_space<vmem>>, vector<131072xi32>
    tpu.vector_store %arg7[%swap3A_114], %add3A_113 {strides = array<i32>} : memref<131072xi32, #tpu.memory_space<vmem>>, vector<131072xi32>,
    return
  }
  func.func @transform_0(%arg0: i32) -> i32 {
    %c0_i32 = arith.constant 0 : i32
    return %arg0 : i32
  }
  func.func @transform_1(%arg0: i32) -> i32 {
    %c0_i32 = arith.constant 0 : i32
    return %arg0 : i32
  }
  func.func @transform_2(%arg0: i32) -> i32 {
    %c0_i32 = arith.constant 0 : i32
    return %arg0 : i32
  }
  func.func @transform_3(%arg0: i32) -> i32 {
    %c0_i32 = arith.constant 0 : i32
    return %arg0 : i32
  }
  func.func @transform_4(%arg0: i32) -> i32 {
    %c0_i32 = arith.constant 0 : i32
    return %arg0 : i32
  }
  func.func @transform_5(%arg0: i32) -> i32 {
    %c0_i32 = arith.constant 0 : i32
    %c0_i32_0 = arith.constant 0 : i32
    return %c0_i32 : i32
  }
  func.func @transform_6(%arg0: i32) -> i32 {
    %c0_i32 = arith.constant 0 : i32
    return %arg0 : i32
  }
  func.func @transform_7(%arg0: i32) -> i32 {
    %c0_i32 = arith.constant 0 : i32
    return %arg0 : i32
  }
  func.func @transform_8(%arg0: i32) -> i32 {
    %c0_i32 = arith.constant 0 : i32
    return %arg0 : i32
  }
}

</mosaic_0001>

<sc_bundles>
// kernel: scatter_offload_async_start.1
scs
__scs_entry_jumppad:
0x0: {  	(pc) =	sbr.rel $0x88, $3  }
0x1: {  	(tag) =	ssettag $0x0;
	lr =	simm.s32 $0x1  }
0x2: {  	[smem:$0x3FA0] =	sst lr;
	_ =	strace $0xD0000000  }
0x3: {  	_ = 	snop  }
0x4: {  	_ = 	snop  }
0x5: {  	_ = 	snop  }
0x6: {  	_ = 	snop  }
0x7: {  	_ = 	snop  }
__scs_overlays_trampoline_lowered:
0x8: {  	[smem:$0x3FAF] =	sst s0  }
0x9: {  	[smem:$0x3FB0] =	sst s1  }
0xa: {  	[smem:$0x3FB1] =	sst s2  }
0xb: {  	[smem:$0x3FB2] =	sst s3  }
0xc: {  	[smem:$0x3FB3] =	sst s4  }
0xd: {  	[smem:$0x3FB4] =	sst s5  }
0xe: {  	[smem:$0x3FB5] =	sst s6  }
0xf: {  	[smem:$0x3FB6] =	sst s7  }
0x10: {  	[smem:$0x3FB7] =	sst s8  }
0x11: {  	[smem:$0x3FB8] =	sst s9;
	s0 =	simm.s32 @!p0 $0x0  }
0x12: {  	s1 =	sld [smem:$0x3F9E];
	s0 =	simm.s32 @p0 $0x1  }
0x13: {  	[smem:$0x3FB9] =	sst s0;
	s0 =	simm.s32 @!p1 $0x0  }
0x14: {  	s2 =	sld [smem:$0x3F9D];
	s0 =	simm.s32 @p1 $0x1  }
0x15: {  	[smem:$0x3FBA] =	sst s0;
	s0 =	simm.s32 @!p2 $0x0  }
0x16: {  	s3 =	sld [smem:$0x3FDB];
	s0 =	simm.s32 @p2 $0x1  }
0x17: {  	s4 =	simm.s32 $0x1BF5;
	[smem:$0x3FBC] =	sst s0  }
0x18: {  	s0 =	sld [smem:$0x3F9F];
	_ =	swait.ge [sflag:s4], $0x0  }
0x19: {  	s7 =	sld [smem:$0x3FA0]  }
0x1a: {  	s8 =	sadd.s32 $0xFFFFE003, lr  }
0x1b: {  	s9 =	sadd.s32 $0xFFFFFEF7, lr;
	s5 =	simm.s32 $0xFFFFFFFF;
	p2 =	slt.u32 s8, $0xFFFFF086  }
0x1c: {  	p1 =	slt.u32 s9, $0xF7A;
	s5 =	simm.s32 @!p2 $0x0  }
0x1d: {  	s5 =	simm.s32 @p1 $0x1;
	p0 =	seq.s32 s7, s2  }
0x1e: {  	s7 =	smul.u32 @!p0 $0xF7A, s2;
	p2 =	seq.s32 @!p0 s5, $0x0  }
0x1f: {  	s9 =	smul.u32 $0xF7A, s1;
	s8 =	simm.s32 @!p0 $0x1BF5;
	p2 =	por !p2, p0  }
0x20: {  	[sflag:s8] =	ssyncset.s32 @!p0 $0xFFFFF086;
	s6 =	sadd.s32 @!p0 s3, s7;
	s7 =	simm.s32 @!p0 $0x108  }
0x21: {  	s3 =	sadd.s32 s3, s9;
	s6 =	sadd.s32 @!p0 $0x88, s6;
	s7 =	simm.s32 @p2 $0x1082  }
0x22: {  	[simem:s7], [sflag:s8] =	dma.local @!p0 [hbm:s6], $0xF7A  }
0x23: {  	s9 =	sor.u32 $0xD0000000, s2;
	s6 =	simm.s32 $0x108;
	_ =	swait.ge @!p0 [sflag:s8], $0x0  }
0x24: {  	s3 =	sadd.s32 $0x88, s3;
	s6 =	simm.s32 @!p1 $0x1082;
	[sflag:s4] =	ssyncset.s32 $0xFFFFF086  }
0x25: {  	[simem:s6], [sflag:s4] =	dma.local [hbm:s3], $0xF7A  }
0x26: {  	[smem:$0x3FA0] =	sst s1;
	(tag) =	ssettag s2;
	_ =	strace s9  }
0x27: {  	s1 =	sld [smem:$0x3FB0]  }
0x28: {  	s2 =	sld [smem:$0x3FB1]  }
0x29: {  	s4 =	sld [smem:$0x3FB3]  }
0x2a: {  	p0 =	seq.s32 s5, $0x0;
	s5 =	sld [smem:$0x3FB4]  }
0x2b: {  	s6 =	sld [smem:$0x3FB5]  }
0x2c: {  	s7 =	sld [smem:$0x3FB6]  }
0x2d: {  	s3 =	simm.s32 $0x108;
	s8 =	sld [smem:$0x3FB7]  }
0x2e: {  	s3 =	simm.s32 @!p0 $0x1082;
	s9 =	sld [smem:$0x3FB8]  }
0x2f: {  	lr =	sadd.s32 s0, s3;
	s0 =	sld [smem:$0x3FAF]  }
0x30: {  	s3 =	sld [smem:$0x3FB2]  }
0x31: {  	[smem:$0x3FBB] =	sst s10  }
0x32: {  	s10 =	sld [smem:$0x3FB9];
	_ =	sdelay $0x3  }
0x33: {  	p0 =	seq.s32 s10, $0x1;
	s10 =	sld [smem:$0x3FBB];
	_ =	sdelay $0x3  }
0x34: {  	[smem:$0x3FBB] =	sst s10  }
0x35: {  	s10 =	sld [smem:$0x3FBA];
	_ =	sdelay $0x3  }
0x36: {  	p1 =	seq.s32 s10, $0x1;
	s10 =	sld [smem:$0x3FBB];
	_ =	sdelay $0x3  }
0x37: {  	[smem:$0x3FBB] =	sst s10  }
0x38: {  	s10 =	sld [smem:$0x3FBC]  }
0x39: {  	_ = 	snop;
	(pc) =	sbr.ind lr, $3  }
0x3a: {  	_ = 	snop  }
0x3b: {  	_ = 	snop  }
0x3c: {  	p2 =	seq.s32 s10, $0x1;
	s10 =	sld [smem:$0x3FBB]  }
0x3d: {  	_ =	shalt  }
0x3e: {  	_ =	shalt  }
0x3f: {  	_ =	shalt  }
0x40: {  	_ =	shalt  }
0x41: {  	_ =	shalt  }
0x42: {  	_ =	shalt  }
0x43: {  	_ =	shalt  }
0x44: {  	_ =	shalt  }
0x45: {  	_ =	shalt  }
0x46: {  	_ =	shalt  }
0x47: {  	_ =	shalt  }
0x48: {  	_ =	shalt  }
0x49: {  	_ =	shalt  }
0x4a: {  	_ =	shalt  }
0x4b: {  	_ =	shalt  }
0x4c: {  	_ =	shalt  }
0x4d: {  	_ =	shalt  }
0x4e: {  	_ =	shalt  }
0x4f: {  	_ =	shalt  }
0x50: {  	_ =	shalt  }
0x51: {  	_ =	shalt  }
0x52: {  	_ =	shalt  }
0x53: {  	_ =	shalt  }
0x54: {  	_ =	shalt  }
0x55: {  	_ =	shalt  }
0x56: {  	_ =	shalt  }
0x57: {  	_ =	shalt  }
0x58: {  	_ =	shalt  }
0x59: {  	_ =	shalt  }
0x5a: {  	_ =	shalt  }
0x5b: {  	_ =	shalt  }
0x5c: {  	_ =	shalt  }
0x5d: {  	_ =	shalt  }
0x5e: {  	_ =	shalt  }
0x5f: {  	_ =	shalt  }
0x60: {  	_ =	shalt  }
0x61: {  	_ =	shalt  }
0x62: {  	_ =	shalt  }
0x63: {  	_ =	shalt  }
0x64: {  	_ =	shalt  }
0x65: {  	_ =	shalt  }
0x66: {  	_ =	shalt  }
0x67: {  	_ =	shalt  }
0x68: {  	_ =	shalt  }
0x69: {  	_ =	shalt  }
0x6a: {  	_ =	shalt  }
0x6b: {  	_ =	shalt  }
0x6c: {  	_ =	shalt  }
0x6d: {  	_ =	shalt  }
0x6e: {  	_ =	shalt  }
0x6f: {  	_ =	shalt  }
0x70: {  	_ =	shalt  }
0x71: {  	_ =	shalt  }
0x72: {  	_ =	shalt  }
0x73: {  	_ =	shalt  }
0x74: {  	_ =	shalt  }
0x75: {  	_ =	shalt  }
0x76: {  	_ =	shalt  }
0x77: {  	_ =	shalt  }
0x78: {  	_ =	shalt  }
0x79: {  	_ =	shalt  }
0x7a: {  	_ =	shalt  }
0x7b: {  	_ =	shalt  }
0x7c: {  	_ =	shalt  }
0x7d: {  	_ =	shalt  }
0x7e: {  	_ =	shalt  }
0x7f: {  	_ =	shalt  }
0x80: {  	_ =	shalt  }
0x81: {  	_ =	shalt  }
0x82: {  	_ =	shalt  }
0x83: {  	_ =	shalt  }
0x84: {  	_ =	shalt  }
0x85: {  	_ =	shalt  }
0x86: {  	_ =	shalt  }
0x87: {  	_ =	shalt  }
.Lfunc_end0:
.L_simem_size_0:
called_computation.1_lowered:
.L_overlay_start_0:
0x88: {  	s0 =	sld [smem:$0x3FD9]  }
0x89: {  	s1 =	sld [smem:$0x3FFE];
	_ =	sdelay $0x3  }
0x8a: {  	s0 =	sadd.s32 s1, s0  }
0x8b: {  	[smem:$0x3FC7] =	sst s0  }
0x8c: {  	_ = 	snop  }
0x8d: {  	s14 =	sld [smem:$0x3FD0];
	(tm) =	ssettm $0x1  }
0x8e: {  	s15 =	sld [smem:$0x3FFB];
	_ =	sdelay $0x3  }
0x8f: {  	_ =	strace s15  }
0x90: {  	s0 =	sld [smem:$0x3FFC];
	_ =	sdelay $0x3  }
0x91: {  	_ =	strace s0  }
0x92: {  	s0 =	sld [smem:$0x3FFD];
	_ =	sdelay $0x3  }
0x93: {  	_ =	strace s0  }
0x94: {  	_ =	strace $0x8FFFFFFF  }
0x95: {  	s16 =	sld [smem:$0x3FDB];
	_ =	sdelay $0x1  }
0x96: {  	s2 =	simm.s32 $_scs_section_size  }
0x97: {  	s3 =	simm.s32 $_size__tile_overlayer_lowered;
	s4 =	simm.s32 $_tile_overlayer_lowered  }
0x98: {  	s5 =	simm.s32 $0x1BFF;
	s17 =	sshll.u32 s4, $0x1;
	s2 =	sadd.s32 s2, s16  }
0x99: {  	s18 =	simm.s32 $0x0;
	s3 =	sshll.u32 s3, $0x1;
	s4 =	sadd.s32 s17, s2  }
0x9a: {  	[timem:s18], [sflag:s5] =	dma.local [hbm:s4], s3  }
0x9b: {  	_ =	swait.ge [sflag:s5], s3  }
0x9c: {  	s3 =	ssub.s32 $0x0, s3;
	[sflag:s5] =	ssyncset.done $0x0  }
0x9d: {  	[sflag:s5] =	ssyncadd.s32 s3;
	_ =	sdelay $0x1  }
0x9e: {  	s19 =	simm.s32 $0x1B8B  }
0x9f: {  	_ =	swait.ge [sflag:s19], $0x1  }
0xa0: {  	[sflag:s19] =	ssyncset.done $0x0  }
0xa1: {  	s21 =	simm.s32 $0x1B8E;
	s20 =	sld [smem:$0x3FFE];
	[sflag:s19] =	ssyncadd.s32 $0xFFFFFFFF  }
0xa2: {  	s22 =	simm.s32 $execute0_lowered;
	[smem:$0x3FD2] =	sst s21  }
0xa3: {  	s4 =	sshll.u32 s22, $0x1;
	_ =	strace $0x8000004C;
	[dreg:$0x1] =	wrdreg $0xFFFFFFFF  }
0xa4: {  	s23 =	simm.s32 $_size_execute0_lowered;
	s4 =	sadd.s32 s2, s4;
	[dreg:$0x0] =	wrdreg $0x0  }
0xa5: {  	s5 =	sshll.u32 s23, $0x1;
	[dreg:$0x2] =	wrdreg s4  }
0xa6: {  	[dreg:$0x3] =	wrdreg s5  }
0xa7: {  	[dreg:$0x4] =	wrdreg $0xC0  }
0xa8: {  	s24 =	simm.s32 $execute1_lowered;
	_ =	task [dreg:s18], $0x5FFFF  }
0xa9: {  	s4 =	sshll.u32 s24, $0x1;
	[dreg:$0x1] =	wrdreg $0xFFFFFFFF  }
0xaa: {  	s2 =	sadd.s32 s2, s4;
	[dreg:$0x0] =	wrdreg $0x60  }
0xab: {  	[dreg:$0x2] =	wrdreg s2  }
0xac: {  	[dreg:$0x3] =	wrdreg s14  }
0xad: {  	[dreg:$0x4] =	wrdreg s20  }
0xae: {  	[dreg:$0x5] =	wrdreg $0xB  }
0xaf: {  	_ =	task.clear_ibuf [dreg:s18], $0x6FFFF;
	_ =	strace $0x9000004C  }
0xb0: {  	s25 =	simm.s32 $0xB;
	_ =	strace $0x8000004E  }
0xb1: {  	_ =	swait.ge [sflag:s25], $0x1  }
0xb2: {  	[sflag:s25] =	ssyncadd.s32 $0xFFFFFFFF  }
0xb3: {  	_ =	strace $0x9000004E  }
0xb4: {  	_ =	strace $0x8000004F;
	[dreg:$0x1] =	wrdreg $0xFFFFFFFF  }
0xb5: {  	[dreg:$0x0] =	wrdreg $0x2030  }
0xb6: {  	[dreg:$0x2] =	wrdreg s20  }
0xb7: {  	[dreg:$0x3] =	wrdreg $0xC  }
0xb8: {  	_ =	task.clear_ibuf [dreg:s18], $0x4FFFF;
	_ =	strace $0x9000004F  }
0xb9: {  	s26 =	simm.s32 $0xC;
	_ =	strace $0x80000051  }
0xba: {  	_ =	swait.ge [sflag:s26], $0x1  }
0xbb: {  	[sflag:s26] =	ssyncadd.s32 $0xFFFFFFFF  }
0xbc: {  	_ =	strace $0x90000051  }
0xbd: {  	_ =	sfence  }
0xbe: {  	s28 =	sld [smem:$0x0];
	_ =	sdelay $0x1  }
0xbf: {  	s29 =	srdreg.scid  }
0xc0: {  	s30 =	sshll.u32 s29, $0xD;
	s31 =	sshrl.u32 s29, $0x2  }
0xc1: {  	s3 =	sand.u32 $0x4000, s30;
	s2 =	sand.u32 $0x1, s29;
	s1 =	sadd.s32 s31, s28  }
0xc2: {  	s2 =	sor.u32 s3, s2;
	s1 =	sshll.u32 s1, $0x11  }
0xc3: {  	s1 =	sor.u32 s1, s2  }
0xc4: {  	s1 =	sadd.s32 $0x8F2B, s1  }
0xc5: {  	[sflag:s1] =	ssyncadd.remote.s32 $0x1  }
0xc6: {  	_ =	sfence.sel $0xFFFF  }
0xc7: {  	[dreg:$0x0] =	wrdreg $0xFFFFFFFF;
	(pc) =	sbr.abs _section_cstart, $3  }
0xc8: {  	[dreg:$0x1] =	wrdreg $0xFFFFFFFF  }
0xc9: {  	_ =	task.clear_ibuf [dreg:s18], $0x2FFFF;
	_ =	strace $0x9FFFFFFF  }
0xca: {  	(tm) =	ssettm $0x7FFFFFFF  }
0xcb: {  	_ =	shalt  }
tec
execute0_lowered:
.L_overlay_start_1:
0x0: {  	(tag) =	ssettag $0x1  }
0x1: {  	s4 =	rddreg [dreg:$0x0]  }
0x2: {  	s2 =	rddreg [dreg:$0x1];
	s6 =	stileid.u32  }
0x3: {  	s5 =	rddreg [dreg:$0x2];
	s3 =	smul.u32 $0x3C00, s6  }
0x4: {  	s0 =	rddreg [dreg:$0x3];
	[bflag:$0x3] =	sbarrier.arrive $0xFFFF;
	s1 =	simm.s32 $_size_execute1_lowered  }
0x5: {  	s1 =	sshll.u32 s1, $0x1;
	p0 =	sne.s32 s6, $0x0;
	s28 =	ssub.s32 $0x258000, s3  }
0x6: {  	s7 =	simm.s32 @!p0 $0x1C3F;
	s8 =	simm.s32 @!p0 $0x4060;
	s9 =	smulhi.u32 $0x444445, s28  }
0x7: {  	[timem:s8], [sflag:s7] =	dma.local @!p0 [hbm:s4], s1  }
0x8: {  	s29 =	sshrl.u32 s9, $0x8  }
0x9: {  	s30 =	smul.u32 $0x3C000, s29  }
.Ltmp0:
0xa: {  	s31 =	simm.s32 $0x2;
	s10 =	simm.s32 $0x0;
	(pc) =	sbr.rel .LBB2_1-.Ltmp0, $4  }
0xb: {  	s6 =	simm.s32 $0x1;
	s5 =	sadd.s32 $0x41C000, s5;
	p1 =	sne.s32 s28, s30  }
0xc: {  	s4 =	simm.s32 $0x1;
	_ =	strace $0x8000004D;
	s6 =	simm.s32 @!p1 $0x0  }
0xd: {  	s8 =	smov.u32 s3;
	[sflag:s4] =	ssyncpa.u1 $0x0;
	s6 =	sadd.s32 s6, s29  }
0xe: {  	[sflag:s31] =	ssyncpa.u1 $0x0;
	s9 =	simm.s32 $0x0;
	s7 =	sadd.s32 $0x1, s6  }
.LBB2_4:
0xf: {  	[tilespmem:s11+$0xB0] =	vst v0  }
0x10: {  	[tilespmem:s11+$0xC0] =	vst v1  }
0x11: {  	[tilespmem:s11+$0xD0] =	vst v2  }
0x12: {  	[tilespmem:s11+$0xE0] =	vst v3;
	s13 =	sshrl.u32 s10, $0x3  }
0x13: {  	[tilespmem:s11+$0xFFFFFF00] =	vst v4;
	s31 =	sand.u32 $0x7, s10;
	s30 =	sadd.s32 s5, s13  }
0x14: {  	[hbm4b:s30+s31] =	stream.linear.scatter [tilespmem:s12], [sflag:$0x2], $0x3C00, $0x38;
	[tilespmem:$0xF000] =	vst v63  }
.LBB2_5:
0x15: {  	s12 =	sadd.s32 $0x3C000, s8  }
0x16: {  	p2 =	sgt.s32 s12, $0x257FFF  }
0x17: {  	s12 =	smov.u32 @p2 s3;
	p2 =	sne.s32 s9, s7  }
.Ltmp1:
0x18: {  	p1 =	slt.u32 s9, $0x2;
	(pc) =	sbr.rel @!p2 .LBB2_6-.Ltmp1, $4  }
0x19: {  	s11 =	simm.s32 @!p1 $0x2  }
0x1a: {  	_ =	swait.ge @!p1 [sflag:s11], $0x3C00  }
0x1b: {  	s13 =	sadd.s32 $0x1, s9;
	s10 =	smov.u32 s8;
	[sflag:s11] =	ssyncset.done @!p1 $0x0  }
0x1c: {  	s9 =	smov.u32 s13;
	s8 =	smov.u32 s12;
	[sflag:s11] =	ssyncadd.s32 @!p1 $0xFFFFC400  }
.LBB2_1:
0x1d: {  	p1 =	sge.u32 s9, s6  }
0x1e: {  	s11 =	sxor.u32 @!p1 $0xFFFFFFFF, s9  }
0x1f: {  	s11 =	sand.u32 @!p1 $0x1, s11  }
0x20: {  	s11 =	smul.u32 @!p1 $0xF000, s11  }
0x21: {  	s31 =	sadd.s32 $0xFFFFFFFF, s9;
	s12 =	sshrl.u32 @!p1 s8, $0x3  }
0x22: {  	s13 =	sand.u32 @!p1 $0x7, s8;
	s12 =	sadd.s32 @!p1 s2, s12;
	s11 =	sshrl.u32 @!p1 s11, $0x2  }
0x23: {  	[tilespmem:s11], [sflag:$0x1] =	stream.linear.gather @!p1 [hbm4b:s12+s13], $0x3C00, $0x38;
	[tilespmem:$0xF000] =	vst v63  }
0x24: {  	p1 =	sge.u32 s31, s6  }
.Ltmp2:
0x25: {  	_ = 	snop;
	(pc) =	sbr.rel @p1 .LBB2_5-.Ltmp2, $1  }
0x26: {  	_ =	sdelay $0x3  }
0x27: {  	s11 =	sand.u32 $0x1, s9  }
0x28: {  	_ =	swait.ge [sflag:s4], $0x3C00;
	s12 =	simm.s32 $0x3C00;
	p1 =	seq.s32 s11, $0x1  }
0x29: {  	[sflag:s4] =	ssyncset.done $0x0;
	s12 =	simm.s32 @!p1 $0x0  }
0x2a: {  	[sflag:s4] =	ssyncadd.s32 $0xFFFFC400;
	s14 =	sor.u32 $0x100, s12  }
0x2b: {  	v0 =	vld [tilespmem:s14+$0xF0]  }
0x2c: {  	v1 =	vld [tilespmem:s14+$0xFFFFFF10]  }
0x2d: {  	v2 =	vld [tilespmem:s14+$0xFFFFFF20]  }
0x2e: {  	v3 =	vld [tilespmem:s14+$0xFFFFFF30]  }
0x2f: {  	s11 =	sadd.s32 $0x7900, s12;
	v4 =	vld [tilespmem:s14+$0xFFFFFF40]  }
0x30: {  	v5 =	vld [tilespmem:s14+$0xFFFFFF50];
	[tilespmem:s11+$0xF0] =	vst v0  }
0x31: {  	[tilespmem:s11+$0xFFFFFF10] =	vst v1;
	v0 =	vld [tilespmem:s14+$0xFFFFFF60]  }
0x32: {  	[tilespmem:s11+$0xFFFFFF20] =	vst v2;
	v1 =	vld [tilespmem:s14+$0xFFFFFF70]  }
0x33: {  	[tilespmem:s11+$0xFFFFFF30] =	vst v3;
	v2 =	vld [tilespmem:s14+$0xFFFFFF80]  }
0x34: {  	[tilespmem:s11+$0xFFFFFF40] =	vst v4;
	v3 =	vld [tilespmem:s14+$0xFFFFFF90]  }
0x35: {  	[tilespmem:s11+$0xFFFFFF50] =	vst v5;
	v4 =	vld [tilespmem:s14+$0xFFFFFFA0]  }
0x36: {  	v5 =	vld [tilespmem:s14+$0xA0];
	[tilespmem:s11+$0xFFFFFF60] =	vst v0  }
0x37: {  	v0 =	vld [tilespmem:s14+$0xFFFFFFB0];
	[tilespmem:s11+$0xFFFFFF70] =	vst v1  }
0x38: {  	v1 =	vld [tilespmem:s14+$0xFFFFFFC0];
	[tilespmem:s11+$0xFFFFFF80] =	vst v2  }
0x39: {  	v2 =	vld [tilespmem:s14+$0xFFFFFFD0];
	[tilespmem:s11+$0xFFFFFF90] =	vst v3  }
0x3a: {  	v3 =	vld [tilespmem:s14+$0xFFFFFFE0];
	[tilespmem:s11+$0xFFFFFFA0] =	vst v4  }
0x3b: {  	v4 =	vld [tilespmem:s14+$0xFFFFFFF0];
	[tilespmem:s11+$0xA0] =	vst v5  }
0x3c: {  	[tilespmem:s11+$0xFFFFFFB0] =	vst v0;
	v0 =	vld [tilespmem:s14+$0x0]  }
0x3d: {  	[tilespmem:s11+$0xFFFFFFC0] =	vst v1;
	v1 =	vld [tilespmem:s14+$0x10]  }
0x3e: {  	[tilespmem:s11+$0xFFFFFFD0] =	vst v2;
	v2 =	vld [tilespmem:s14+$0x20]  }
0x3f: {  	[tilespmem:s11+$0xFFFFFFE0] =	vst v3;
	v3 =	vld [tilespmem:s14+$0x30]  }
0x40: {  	[tilespmem:s11+$0xFFFFFFF0] =	vst v4;
	v4 =	vld [tilespmem:s14+$0x40]  }
0x41: {  	[tilespmem:s11+$0x0] =	vst v0;
	v0 =	vld [tilespmem:s14+$0x50]  }
0x42: {  	[tilespmem:s11+$0x10] =	vst v1;
	v1 =	vld [tilespmem:s14+$0x60]  }
0x43: {  	[tilespmem:s11+$0x20] =	vst v2;
	v2 =	vld [tilespmem:s14+$0x70]  }
0x44: {  	[tilespmem:s11+$0x30] =	vst v3;
	v3 =	vld [tilespmem:s14+$0x80]  }
0x45: {  	[tilespmem:s11+$0x40] =	vst v4;
	v4 =	vld [tilespmem:s14+$0x90]  }
0x46: {  	[tilespmem:s11+$0x50] =	vst v0;
	v0 =	vld [tilespmem:s14+$0xB0]  }
0x47: {  	[tilespmem:s11+$0x60] =	vst v1;
	v1 =	vld [tilespmem:s14+$0xC0]  }
0x48: {  	[tilespmem:s11+$0x70] =	vst v2;
	v2 =	vld [tilespmem:s14+$0xD0]  }
0x49: {  	[tilespmem:s11+$0x80] =	vst v3;
	v3 =	vld [tilespmem:s14+$0xE0]  }
0x4a: {  	s13 =	simm.s32 $0x0;
	s12 =	sadd.s32 $0x7800, s12;
	[tilespmem:s11+$0x90] =	vst v4;
	v4 =	vld [tilespmem:s14+$0xFFFFFF00];
	s14 =	sadd.s32 $0x200, s14  }
.LBB2_3:
0x4b: {  	v5 =	vld [tilespmem:s14+$0xF0];
	s13 =	sadd.s32 $0x200, s13;
	[tilespmem:s11+$0xB0] =	vst v0  }
0x4c: {  	v0 =	vld [tilespmem:s14+$0xFFFFFF10];
	p1 =	slt.u32 s13, $0x3A00;
	[tilespmem:s11+$0xC0] =	vst v1  }
0x4d: {  	v1 =	vld [tilespmem:s14+$0xFFFFFF20];
	[tilespmem:s11+$0xD0] =	vst v2  }
0x4e: {  	v2 =	vld [tilespmem:s14+$0xFFFFFF30];
	[tilespmem:s11+$0xE0] =	vst v3  }
0x4f: {  	v3 =	vld [tilespmem:s14+$0xFFFFFF40];
	[tilespmem:s11+$0xFFFFFF00] =	vst v4;
	s11 =	sadd.s32 $0x200, s11  }
0x50: {  	v4 =	vld [tilespmem:s14+$0xFFFFFF50];
	[tilespmem:s11+$0xF0] =	vst v5  }
0x51: {  	[tilespmem:s11+$0xFFFFFF10] =	vst v0;
	v0 =	vld [tilespmem:s14+$0xFFFFFF60]  }
0x52: {  	[tilespmem:s11+$0xFFFFFF20] =	vst v1;
	v1 =	vld [tilespmem:s14+$0xFFFFFF70]  }
0x53: {  	[tilespmem:s11+$0xFFFFFF30] =	vst v2;
	v2 =	vld [tilespmem:s14+$0xFFFFFF80]  }
0x54: {  	[tilespmem:s11+$0xFFFFFF40] =	vst v3;
	v3 =	vld [tilespmem:s14+$0xFFFFFF90]  }
0x55: {  	[tilespmem:s11+$0xFFFFFF50] =	vst v4;
	v4 =	vld [tilespmem:s14+$0xFFFFFFA0]  }
0x56: {  	[tilespmem:s11+$0xFFFFFF60] =	vst v0;
	v0 =	vld [tilespmem:s14+$0xFFFFFFB0]  }
0x57: {  	[tilespmem:s11+$0xFFFFFF70] =	vst v1;
	v1 =	vld [tilespmem:s14+$0xFFFFFFC0]  }
0x58: {  	[tilespmem:s11+$0xFFFFFF80] =	vst v2;
	v2 =	vld [tilespmem:s14+$0xFFFFFFD0]  }
0x59: {  	[tilespmem:s11+$0xFFFFFF90] =	vst v3;
	v3 =	vld [tilespmem:s14+$0xFFFFFFE0]  }
0x5a: {  	[tilespmem:s11+$0xFFFFFFA0] =	vst v4;
	v4 =	vld [tilespmem:s14+$0xFFFFFFF0]  }
0x5b: {  	[tilespmem:s11+$0xFFFFFFB0] =	vst v0;
	v0 =	vld [tilespmem:s14+$0x0]  }
0x5c: {  	[tilespmem:s11+$0xFFFFFFC0] =	vst v1;
	v1 =	vld [tilespmem:s14+$0x10]  }
0x5d: {  	[tilespmem:s11+$0xFFFFFFD0] =	vst v2;
	v2 =	vld [tilespmem:s14+$0x20]  }
0x5e: {  	[tilespmem:s11+$0xFFFFFFE0] =	vst v3;
	v3 =	vld [tilespmem:s14+$0x30]  }
0x5f: {  	[tilespmem:s11+$0xFFFFFFF0] =	vst v4;
	v4 =	vld [tilespmem:s14+$0x40]  }
0x60: {  	[tilespmem:s11+$0x0] =	vst v0;
	v0 =	vld [tilespmem:s14+$0x50]  }
0x61: {  	[tilespmem:s11+$0x10] =	vst v1;
	v1 =	vld [tilespmem:s14+$0x60]  }
0x62: {  	[tilespmem:s11+$0x20] =	vst v2;
	v2 =	vld [tilespmem:s14+$0x70]  }
0x63: {  	[tilespmem:s11+$0x30] =	vst v3;
	v3 =	vld [tilespmem:s14+$0x80]  }
0x64: {  	[tilespmem:s11+$0x40] =	vst v4;
	v4 =	vld [tilespmem:s14+$0x90]  }
0x65: {  	[tilespmem:s11+$0x50] =	vst v0;
	v5 =	vld [tilespmem:s14+$0xA0]  }
.Ltmp3:
0x66: {  	[tilespmem:s11+$0x60] =	vst v1;
	v0 =	vld [tilespmem:s14+$0xB0];
	(pc) =	sbr.rel @p1 .LBB2_3-.Ltmp3, $4  }
0x67: {  	[tilespmem:s11+$0x70] =	vst v2;
	v1 =	vld [tilespmem:s14+$0xC0]  }
0x68: {  	[tilespmem:s11+$0x80] =	vst v3;
	v2 =	vld [tilespmem:s14+$0xD0]  }
0x69: {  	[tilespmem:s11+$0x90] =	vst v4;
	v3 =	vld [tilespmem:s14+$0xE0]  }
0x6a: {  	v4 =	vld [tilespmem:s14+$0xFFFFFF00];
	[tilespmem:s11+$0xA0] =	vst v5;
	s14 =	sadd.s32 $0x200, s14  }
.Ltmp4:
0x6b: {  	_ = 	snop;
	(pc) =	sbr.rel .LBB2_4-.Ltmp4, $1  }
0x6c: {  	_ =	sdelay $0x3  }
.LBB2_6:
0x6d: {  	_ =	sfence.sel $0x180000  }
0x6e: {  	s2 =	simm.s32 $0x1;
	[bflag:$0x0] =	sbarrier.arrive $0xFFFF  }
0x6f: {  	s31 =	simm.s32 $0x2;
	[sflag:s2] =	ssyncpa.u1 $0x1  }
0x70: {  	[sflag:s31] =	ssyncpa.u1 $0x1  }
0x71: {  	_ =	strace $0x9000004D  }
0x72: {  	s0 =	sadd.s32 @!p0 $0x100000, s0;
	[bflag:$0x2] =	sbarrier.arrive $0xFFFF  }
0x73: {  	[sflag:s0] =	ssyncadd.tile.s32 @!p0 $0x1;
	s0 =	simm.s32 @!p0 $0x3F  }
0x74: {  	_ =	swait.ge @!p0 [sflag:s0], s1  }
0x75: {  	s1 =	ssub.s32 @!p0 $0x0, s1;
	[sflag:s0] =	ssyncset.done @!p0 $0x0  }
0x76: {  	[sflag:s0] =	ssyncadd.s32 @!p0 s1  }
0x77: {  	[bflag:$0x3] =	sbarrier.arrive $0xFFFF  }
0x78: {  	_ =	shalt  }
.Lfunc_end2:
execute1_lowered:
.L_overlay_start_2:
0x79: {  	(tag) =	ssettag $0x2  }
0x7a: {  	s3 =	rddreg [dreg:$0x0];
	s14 =	stileid.u32  }
0x7b: {  	_ =	strace $0x80000050;
	s2 =	simm.s32 $0x1;
	s0 =	smul.u32 $0x3E, s14  }
0x7c: {  	v1 =	vimm.s32 $0xFFFFFFFF;
	s1 =	smin.u32 s14, $0x8;
	[sflag:s2] =	ssyncpa.u1 $0x0  }
0x7d: {  	[tilespmem:$0x10] =	vst v1;
	s0 =	sadd.s32 s1, s0  }
0x7e: {  	v0 =	vimm.f32 $0.0e+00;
	p0 =	slt.u32 s14, $0x8;
	[tilespmem:$0x20] =	vst v1;
	s4 =	smul.u32 $0x1F40, s0;
	s0 =	simm.s32 $0x7B0C0  }
0x7f: {  	[tilespmem:$0x30] =	vst v0;
	s0 =	simm.s32 @!p0 $0x79180  }
0x80: {  	[tilespmem:$0x40] =	vst v0;
	s0 =	sadd.s32 s0, s4  }
0x81: {  	[tilespmem:$0x50] =	vst v0;
	s5 =	smin.u32 s0, $0x7A1200  }
0x82: {  	s7 =	simm.s32 $0x2;
	s8 =	simm.s32 $0x8;
	[tilespmem:$0x60] =	vst v1;
	s0 =	ssub.s32 s5, s4  }
0x83: {  	s31 =	simm.s32 $0x9;
	s16 =	simm.s32 $0x0;
	[tilespmem:$0x70] =	vst v1;
	p0 =	sgt.s32 s0, $0x0  }
0x84: {  	s17 =	simm.s32 $0xF0;
	s18 =	simm.s32 $0xFFFFFFFF;
	[tilespmem:$0x80] =	vst v1;
	s0 =	simm.s32 @!p0 $0x0  }
0x85: {  	s19 =	simm.s32 $0xFFFFC280;
	s20 =	simm.s32 $0xFFFFFFFE;
	v1 =	vimm.s32 $0x0;
	[tilespmem:$0xB0] =	vst v0;
	s30 =	smulhi.u32 $0x10624DD3, s0  }
0x86: {  	s21 =	simm.s32 $0xF;
	s25 =	simm.s32 $0x0;
	s24 =	simm.s32 $0x0;
	[tilespmem:$0x90] =	vst v1  }
0x87: {  	[tilespmem:$0xA0] =	vst v1;
	[sflag:s7] =	ssyncpa.u1 $0x0;
	s7 =	simm.s32 $0x7;
	s9 =	sshrl.u32 s30, $0x9  }
0x88: {  	s6 =	sadd.s32 $0x327C00, s3;
	[sflag:s7] =	ssyncpa.u1 $0x0;
	s10 =	smul.u32 $0x1F40, s9  }
.Ltmp5:
0x89: {  	s1 =	sadd.s32 $0x41C000, s3;
	[sflag:s8] =	ssyncpa.u1 $0x0;
	(pc) =	sbr.rel .LBB3_1-.Ltmp5, $4  }
0x8a: {  	[sflag:s31] =	ssyncpa.u1 $0x0;
	s23 =	smov.u32 s4;
	p0 =	sne.s32 s0, s10  }
0x8b: {  	s10 =	sshll.u32 s14, $0x1;
	s14 =	sshllo.u32 s14, $0x1;
	s2 =	simm.s32 @!p0 $0x0  }
0x8c: {  	vm0 =	vmmov $0xffff;
	v2 =	vlaneseq.u32;
	s13 =	sor.u32 $0x81, s10;
	s15 =	sor.u32 $0x80, s10;
	s9 =	sadd.s32 s2, s9  }
0x8d: {  	vm1 =	vmxor vm1, vm1;
	vm2 =	vmmov $0x1;
	vm3 =	vcmask $0x3F3C;
	p0 =	por $0x0, $0x0;
	s11 =	sadd.s32 $0x1, s9;
	s12 =	sadd.s32 $0x2, s9  }
.LBB3_9:
0x8e: {  	p1 =	slt.u32 s24, $0x3  }
0x8f: {  	s0 =	simm.s32 @!p1 $0x2  }
0x90: {  	_ =	swait.ge @!p1 [sflag:s0], $0x1F40  }
0x91: {  	[sflag:s0] =	ssyncset.done @!p1 $0x0  }
0x92: {  	[sflag:s0] =	ssyncadd.s32 @!p1 $0xFFFFE0C0;
	s0 =	simm.s32 @!p1 $0x9  }
0x93: {  	_ =	swait.ge @!p1 [sflag:s0], $0x10  }
0x94: {  	[sflag:s0] =	ssyncset.done @!p1 $0x0  }
0x95: {  	[sflag:s0] =	ssyncadd.s32 @!p1 $0xFFFFFFF0;
	p1 =	sne.s32 s24, s12  }
.Ltmp6:
0x96: {  	s2 =	sadd.s32 $0x1F40, s23;
	(pc) =	sbr.rel @!p1 .LBB3_10-.Ltmp6, $4  }
0x97: {  	s22 =	smov.u32 s4;
	s31 =	sadd.s32 $0x1, s24;
	s17 =	sadd.s32 $0x1F40, s17  }
0x98: {  	s18 =	sadd.s32 $0x1, s18;
	s25 =	smov.u32 s23;
	p2 =	slt.s32 s2, s5  }
0x99: {  	p0 =	por !p0, !p0;
	s19 =	sadd.s32 $0x1F40, s19;
	s22 =	smov.u32 @p2 s2  }
0x9a: {  	s20 =	sadd.s32 $0x1, s20;
	s23 =	smov.u32 s22;
	s24 =	smov.u32 s31  }
.LBB3_1:
0x9b: {  	p1 =	sge.u32 s24, s9  }
0x9c: {  	s0 =	smulhi.u32 @!p1 $0xAAAAAAAB, s24;
	_ =	sdelay $0x1  }
0x9d: {  	s0 =	sshrl.u32 @!p1 s0, $0x1  }
0x9e: {  	s0 =	smul.u32 @!p1 $0x3, s0;
	_ =	sdelay $0x1  }
0x9f: {  	s0 =	ssub.s32 @!p1 s24, s0  }
0xa0: {  	s0 =	smul.u32 @!p1 $0x7D00, s0;
	_ =	sdelay $0x1  }
0xa1: {  	s2 =	sshrl.u32 @!p1 s23, $0x3;
	s0 =	sshrl.u32 @!p1 s0, $0x2  }
0xa2: {  	s22 =	sand.u32 @!p1 $0x7, s23;
	s2 =	sadd.s32 @!p1 s3, s2;
	s0 =	sadd.s32 @!p1 $0x100, s0  }
0xa3: {  	[tilespmem:s0], [sflag:$0x7] =	stream.linear.gather @!p1 [hbm4b:s2+s22], $0x1F40, $0x38;
	[tilespmem:$0x11A60] =	vst v63  }
0xa4: {  	s0 =	sadd.s32 $0xFFFFFFFF, s24  }
0xa5: {  	p1 =	sge.u32 s0, s9  }
.Ltmp7:
0xa6: {  	_ = 	snop;
	(pc) =	sbr.rel @p1 .LBB3_5-.Ltmp7, $1  }
0xa7: {  	_ =	sdelay $0x3  }
0xa8: {  	s2 =	smulhi.u32 $0xAAAAAAAB, s0;
	_ =	sdelay $0x1  }
0xa9: {  	s2 =	sshrl.u32 s2, $0x1  }
0xaa: {  	s2 =	smul.u32 $0x3, s2;
	_ =	sdelay $0x1  }
0xab: {  	s2 =	ssub.s32 s0, s2  }
0xac: {  	s2 =	smul.u32 $0x7D00, s2  }
0xad: {  	_ =	swait.ge [sflag:s7], $0x1F40  }
0xae: {  	[sflag:s7] =	ssyncset.done $0x0;
	s2 =	sshrl.u32 s2, $0x2  }
0xaf: {  	[sflag:s7] =	ssyncadd.s32 $0xFFFFE0C0;
	(ifvalue) =	ssetifvalue $0xFFFFFFFF;
	v3 =	vld.msk [tilespmem:s2+$0x100 ss:$0x1], $0xffff;
	_ =	sdelay $0x2  }
0xb0: {  	s30 =	smulhi.u32 $0xAAAAAAAB, s18;
	p1 =	sne.s32 s24, $0x1  }
0xb1: {  	v4 =	vimm.s32 @!p1 $0x0  }
0xb2: {  	s2 =	sshrl.u32 s30, $0x1;
	v4 =	vperm.xlane @!p1 v3, v4  }
0xb3: {  	s22 =	sshll.u32 s24, $0x4;
	s2 =	smul.u32 $0xFFFE8900, s2;
	vm4 =	vlt.u32 v3, $0x258000  }
0xb4: {  	s22 =	sand.u32 $0x10, s22;
	v3 =	vnsel vm4, $0xFFFFFFFE, v3;
	vm4 =	vlt.u32 @!p1 v4, $0x258000  }
0xb5: {  	s2 =	sshra.s32 s2, $0x2;
	[tilespmem:s22+$0x60] =	vst v3;
	v3 =	vnsel @!p1 vm4, $0xFFFFFFFE, v4  }
0xb6: {  	s28 =	sadd.s32 s2, s17;
	[tilespmem:$0x80] =	vst @!p1 v3  }
0xb7: {  	v3 =	vld.msk [tilespmem:s28+$0x0 ss:$0x1], $0xffff;
	_ =	sdelay $0x4  }
0xb8: {  	(xrf1) =	vunique.msk.u32 $0xffff, v3;
	_ =	sdelay $0xd  }
0xb9: {  	v4 =	vimm.s32 $0xFFFFFFFF;
	v5, _, _ =	vpop (xrf1)  }
0xba: {  	vm5 =	vne.s32 v3, v4;
	vm4 =	veq.s32 v5, v2  }
0xbb: {  	vm6 =	vlt.u32 v3, $0x258000;
	vm4 =	vmand vm5, vm4  }
0xbc: {  	vm4 =	vmand vm6, vm4  }
0xbd: {  	v4 =	vnsel vm4, $0xFFFFFFFF, v3  }
0xbe: {  	s31 =	sand.u32 $0x1, s0  }
0xbf: {  	s0 =	simm.s32 $0x1F40;
	p1 =	seq.s32 s31, $0x1  }
0xc0: {  	s0 =	simm.s32 @!p1 $0x0  }
0xc1: {  	s26 =	sadd.s32 $0x7DF0, s0;
	(ifvalue) =	ssetifvalue $0xFFFFFFFF  }
0xc2: {  	v3 =	vperm.xlane v3, v1;
	[tilespmem:s26], [sflag:$0x8] =	stream.indirect_vreg.gather [hbm4b:s1+s16], $0x1, v4, vm0, $0x4038;
	v4 =	vnsel vm6, $0xFFFFFFFE, v4;
	[tilespmem:$0x11A60] =	vst v63  }
0xc3: {  	s2 =	simm.s32 $0x0;
	s22 =	sadd.s32 $0xFFFFFFF0, s28;
	[tilespmem:s28+$0x0] =	vst v4  }
.LBB3_3:
0xc4: {  	v4 =	vld.msk [tilespmem:s22+$0x0 ss:$0x1], $0xffff;
	s2 =	sadd.s32 $0x10, s2;
	v5 =	vmov v3;
	s28 =	smov.u32 s22  }
0xc5: {  	p1 =	slt.u32 s2, $0x1F30;
	_ =	sdelay $0x4  }
0xc6: {  	v3 =	vperm.xlane v4, v1;
	(xrf1) =	vunique.msk.u32 $0xffff, v4;
	_ =	sdelay $0xd  }
0xc7: {  	v6, _, _ =	vpop (xrf1)  }
0xc8: {  	vm5 =	vne.s32 v4, v5;
	vm4 =	veq.s32 v6, v2  }
0xc9: {  	vm6 =	vlt.u32 v4, $0x258000;
	vm4 =	vmand vm5, vm4  }
0xca: {  	vm4 =	vmand vm6, vm4  }
0xcb: {  	v4 =	vnsel vm4, $0xFFFFFFFF, v4  }
.Ltmp8:
0xcc: {  	v5 =	vnsel vm6, $0xFFFFFFFE, v4;
	(pc) =	sbr.rel @p1 .LBB3_3-.Ltmp8, $3  }
0xcd: {  	_ =	sdelay $0x1  }
0xce: {  	s22 =	sadd.s32 $0xFFFFFFF0, s22;
	s26 =	sadd.s32 $0xFFFFFFF0, s26;
	(ifvalue) =	ssetifvalue $0xFFFFFFFF  }
0xcf: {  	[tilespmem:s26], [sflag:$0x8] =	stream.indirect_vreg.gather [hbm4b:s1+s16], $0x1, v4, vm0, $0x4038;
	[tilespmem:s28+$0x0] =	vst v5  }
0xd0: {  	s2 =	sshrl.u32 s25, $0x3  }
0xd1: {  	s0 =	sadd.s32 $0x9D40, s0;
	s2 =	sadd.s32 s6, s2  }
0xd2: {  	[tilespmem:s0], [sflag:$0x8] =	stream.linear.gather [hbm:s2], $0x1F40, $0x38;
	[tilespmem:$0x11A60] =	vst v63  }
.LBB3_5:
0xd3: {  	p1 =	slt.u32 s24, $0x2  }
0xd4: {  	p2 =	sge.u32 @!p1 s24, s12  }
0xd5: {  	p1 =	por p1, p2  }
.Ltmp9:
0xd6: {  	_ = 	snop;
	(pc) =	sbr.rel @p1 .LBB3_9-.Ltmp9, $1  }
0xd7: {  	_ =	sdelay $0x3  }
0xd8: {  	s0 =	sadd.s32 $0xFFFFFFFE, s24  }
0xd9: {  	s2 =	smulhi.u32 $0xAAAAAAAB, s0;
	_ =	sdelay $0x1  }
0xda: {  	s2 =	sshrl.u32 s2, $0x1  }
0xdb: {  	s2 =	smul.u32 $0x3, s2;
	_ =	sdelay $0x1  }
0xdc: {  	s0 =	ssub.s32 s0, s2  }
0xdd: {  	_ =	swait.ge [sflag:s8], $0x3E80;
	s0 =	smul.u32 $0x1F40, s0  }
0xde: {  	p1 =	sne.s32 s24, s11;
	[sflag:s8] =	ssyncset.done $0x0  }
0xdf: {  	[sflag:s8] =	ssyncadd.s32 $0xFFFFC180;
	s2 =	sadd.s32 @!p1 $0x203F, s0  }
0xe0: {  	[spmem:s13] =	stream.linear.scatter @!p1 [tilespmem:s2], [sflag:$0x1], $0x1, $0x38;
	[tilespmem:$0x11A60] =	vst v63  }
0xe1: {  	s2 =	simm.s32 @!p1 $0x1  }
0xe2: {  	_ =	swait.ge @!p1 [sflag:s2], $0x1  }
0xe3: {  	s22 =	sshll.u32 s24, $0x4;
	[sflag:s2] =	ssyncset.done @!p1 $0x0  }
0xe4: {  	s25 =	sand.u32 $0x10, s22;
	[sflag:s2] =	ssyncadd.s32 @!p1 $0xFFFFFFFF  }
0xe5: {  	s2 =	sxor.u32 $0x10, s25;
	v4 =	vld [tilespmem:s25+$0x10]  }
0xe6: {  	v5 =	vld [tilespmem:s2+$0x60]  }
0xe7: {  	v3 =	vld [tilespmem:$0x80];
	_ =	sdelay $0x2  }
0xe8: {  	(v2sf) =	vpush v4, $0x0  }
0xe9: {  	(v2sf) =	vpush v5, $0x0  }
0xea: {  	(v2sf) =	vpush v3, $0x0;
	_ =	sdelay $0xc  }
0xeb: {  	s22 =	spop (v2sf)  }
0xec: {  	s26 =	spop (v2sf)  }
0xed: {  	s28 =	spop (v2sf)  }
0xee: {  	p2 =	seq.s32 s22, s26;
	p3 =	seq.s32 s28, s22  }
0xef: {  	p3 =	por p2, p3  }
0xf0: {  	s26 =	sand.u32 $0x1, s24;
	v4 =	vpsel p3, $0xFFFFFFFF, v4  }
0xf1: {  	s29 =	smul.u32 $0x1F40, s26;
	[tilespmem:s25+$0x10] =	vst.msk $0x1, v4  }
0xf2: {  	v4 =	vld [tilespmem:$0x30]  }
0xf3: {  	v5 =	vld [tilespmem:s29+$0x9D40]  }
0xf4: {  	v6 =	vld [tilespmem:s25+$0x40];
	_ =	sdelay $0x3  }
0xf5: {  	vm4 =	vmmov vm1;
	v5 =	vadd.f32 v5, v4  }
0xf6: {  	vm5 =	vmmov vm2;
	vm4 =	vmmov @p2 vm2;
	s22 =	sshll.u32 s26, $0x4;
	v4 =	vadd.f32 v6, v4  }
0xf7: {  	s26 =	sor.u32 $0x11A40, s22;
	vm5 =	vmmov @p3 vm1;
	[tilespmem:s29+$0x9D40] =	vst.msk vm4, v5  }
0xf8: {  	[tilespmem:s26+$0x0] =	vst.msk vm5, v4  }
0xf9: {  	v4 =	vld [tilespmem:s29+$0x7DF0];
	_ =	sdelay $0x3  }
0xfa: {  	v5 =	vimm.f32 $0.0e+00  }
0xfb: {  	v4 =	vshift.insert v4, v5, s21  }
0xfc: {  	s22 =	sor.u32 $0x40, s2  }
0xfd: {  	[tilespmem:s22+$0x0] =	vst.msk $0x1, v4  }
0xfe: {  	[tilespmem:s29+$0x7DFF] =	vst.msk $0x1, v5  }
0xff: {  	v4 =	vld [tilespmem:s0+$0x2030];
	_ =	sdelay $0x1  }
0x100: {  	s22 =	smulhi.u32 $0xAAAAAAAB, s20;
	s0 =	simm.s32 $0x1  }
0x101: {  	s0 =	simm.s32 @!p0 $0x0  }
0x102: {  	s22 =	sshrl.u32 s22, $0x1;
	s0 =	smul.u32 $0x7D00, s0  }
0x103: {  	s22 =	smul.u32 $0xFFFE8900, s22;
	v4 =	vshift.insert v4, v1, s21  }
0x104: {  	s0 =	sshrl.u32 s0, $0x2  }
0x105: {  	s22 =	sshra.s32 s22, $0x2;
	s30 =	sadd.s32 $0x9D40, s0;
	[tilespmem:s2+$0x10] =	vst.msk $0x1, v4  }
0x106: {  	s22 =	sadd.s32 s22, s19;
	v6 =	vld [tilespmem:s30+$0x0]  }
0x107: {  	v7 =	vld [tilespmem:s22+$0x0];
	_ =	sdelay $0x3  }
0x108: {  	v5 =	vadd.f32 v6, v5  }
0x109: {  	vm4 =	vne.s32 v7, $0xFFFFFFFF  }
0x10a: {  	(xrf2) =	vadd.seg.scan.f32 vm4, v5;
	_ =	sdelay $0x3  }
0x10b: {  	s31 =	sadd.s32 $0x5EC0, s0;
	v5 =	vperm.xlane v4, v1  }
0x10c: {  	v6 =	vld [tilespmem:s31+$0x0]  }
0x10d: {  	vm5 =	veq.s32 v7, v3;
	vm6 =	veq.s32 v7, v5  }
0x10e: {  	vm7 =	vgt.u32 v7, $0xFFFFFFFD;
	vm6 =	vmor vm6, vm5  }
0x10f: {  	vm6 =	vmor vm6, vm7  }
0x110: {  	v9 =	vld [tilespmem:$0xA0];
	v7 =	vsel vm6, $0xFFFFFFFF, v7  }
0x111: {  	v10 =	vld [tilespmem:$0x90];
	v6 =	vsel vm5, $0x0, v6;
	v8, _, _ =	vpop (xrf2)  }
0x112: {  	v6 =	vadd.f32 v8, v6  }
0x113: {  	s0 =	sadd.s32 $0xDBC0, s0  }
0x114: {  	vm4 =	vmand vm4, vm3;
	[tilespmem:s0+$0x0] =	vst v6;
	(ifvalue) =	ssetifvalue $0xFFFFFFFF  }
0x115: {  	vm6 =	veq.s32 v9, $0x1;
	[hbm4b:s1+s16] =	stream.indirect_vreg.scatter [tilespmem:s0], [sflag:$0x2], $0x1, v7, vm0, $0x4038;
	v7 =	vsel vm4, $0x0, v8;
	[tilespmem:$0x11A60] =	vst v63  }
0x116: {  	s2 =	simm.s32 $0x0;
	s22 =	sadd.s32 $0x10, s22;
	vm4 =	vmor vm6, vm5;
	v6 =	vsel vm5, v8, v10;
	v7 =	vshift.insert v7, v0, s21  }
.LBB3_7:
0x117: {  	v8 =	vld [tilespmem:s22+$0x0];
	s30 =	sadd.s32 $0x10, s30  }
0x118: {  	s31 =	sadd.s32 $0x10, s31;
	v9 =	vld [tilespmem:s30+$0x0]  }
0x119: {  	s2 =	sadd.s32 $0x10, s2;
	v10 =	vld [tilespmem:s31+$0x0]  }
0x11a: {  	p2 =	slt.u32 s2, $0x1F30;
	_ =	sdelay $0x2  }
0x11b: {  	v7 =	vadd.f32 v9, v7  }
0x11c: {  	vm5 =	vne.s32 v8, $0xFFFFFFFF  }
0x11d: {  	vm6 =	vmand vm5, vm3;
	(xrf2) =	vadd.seg.scan.f32 vm5, v7;
	_ =	sdelay $0x5  }
0x11e: {  	vm7 =	veq.s32 v8, v5;
	vm5 =	veq.s32 v8, v3  }
0x11f: {  	vm8 =	vgt.u32 v8, $0xFFFFFFFD;
	vm4 =	vmor vm4, vm5;
	vm7 =	vmor vm7, vm5  }
0x120: {  	vm7 =	vmor vm7, vm8  }
0x121: {  	v8 =	vsel vm7, $0xFFFFFFFF, v8  }
.Ltmp10:
0x122: {  	v7 =	vsel vm5, $0x0, v10;
	v9, _, _ =	vpop (xrf2);
	(pc) =	sbr.rel @p2 .LBB3_7-.Ltmp10, $4  }
0x123: {  	v6 =	vsel vm5, v9, v6;
	v10 =	vadd.f32 v9, v7;
	v7 =	vsel vm6, $0x0, v9  }
0x124: {  	s0 =	sadd.s32 $0x10, s0;
	v7 =	vshift.insert v7, v0, s21  }
0x125: {  	s22 =	sadd.s32 $0x10, s22;
	[tilespmem:s0+$0x0] =	vst v10;
	(ifvalue) =	ssetifvalue $0xFFFFFFFF  }
0x126: {  	[hbm4b:s1+s16] =	stream.indirect_vreg.scatter [tilespmem:s0], [sflag:$0x2], $0x1, v8, vm0, $0x4038;
	[tilespmem:$0x11A60] =	vst v63  }
0x127: {  	v3 =	vld [tilespmem:s29+$0xFAF0];
	_ =	sdelay $0x4  }
0x128: {  	v3 =	vshift.insert v3, v0, s21  }
0x129: {  	s0 =	simm.s32 $0x30  }
0x12a: {  	[tilespmem:s0+$0x0] =	vst.msk $0x1, v3  }
0x12b: {  	v3 =	vsel vm4, $0x1, v1;
	[tilespmem:$0x90] =	vst v6  }
0x12c: {  	s0 =	sadd.s32 @!p1 $0xFAFF, s29;
	[tilespmem:$0xA0] =	vst v3  }
0x12d: {  	[spmem:s14] =	stream.linear.scatter @!p1 [tilespmem:s0], [sflag:$0x1], $0x1, $0x38;
	[tilespmem:$0x11A60] =	vst v63  }
0x12e: {  	s0 =	simm.s32 @!p1 $0x1  }
0x12f: {  	v3 =	vmctz.xlane @!p1 vm4;
	_ =	swait.ge @!p1 [sflag:s0], $0x1  }
0x130: {  	(v2sf) =	vpush @!p1 v4, $0x0  }
0x131: {  	(v2sf) =	vpush @!p1 v3, $0x0;
	_ =	sdelay $0xd  }
0x132: {  	s2 =	spop @!p1 (v2sf)  }
0x133: {  	s22 =	spop @!p1 (v2sf)  }
0x134: {  	p2 =	sne.s32 @!p1 s28, s2;
	p3 =	slt.s32 @!p1 s22, $0xF  }
0x135: {  	[sflag:s0] =	ssyncset.done @!p1 $0x0;
	p2 =	por p2, p1;
	p3 =	por !p3, p1  }
0x136: {  	[sflag:s0] =	ssyncadd.s32 @!p1 $0xFFFFFFFF;
	v3 =	vimm.s32 @!p2 $0xFFFFFFFF;
	s22 =	simm.s32 @p3 $0xF  }
0x137: {  	[tilespmem:$0x80] =	vst @!p2 v3;
	s2 =	sadd.s32 @!p1 $0x90, s22  }
0x138: {  	[spmem:s10] =	stream.linear.scatter @!p1 [tilespmem:s2], [sflag:$0x1], $0x1, $0x38;
	[tilespmem:$0x11A60] =	vst v63  }
0x139: {  	_ =	swait.ge @!p1 [sflag:s0], $0x1  }
0x13a: {  	[sflag:s0] =	ssyncset.done @!p1 $0x0  }
0x13b: {  	s2 =	simm.s32 @!p1 $0x80;
	[sflag:s0] =	ssyncadd.s32 @!p1 $0xFFFFFFFF  }
0x13c: {  	[spmem:s15] =	stream.linear.scatter @!p1 [tilespmem:s2], [sflag:$0x1], $0x1, $0x38;
	[tilespmem:$0x11A60] =	vst v63  }
0x13d: {  	_ =	swait.ge @!p1 [sflag:s0], $0x1  }
0x13e: {  	[sflag:s0] =	ssyncset.done @!p1 $0x0  }
0x13f: {  	[sflag:s0] =	ssyncadd.s32 @!p1 $0xFFFFFFFF;
	(ifvalue) =	ssetifvalue $0xFFFFFFFF;
	v3 =	vld [tilespmem:s25+$0x10];
	_ =	sdelay $0x3  }
.Ltmp11:
0x140: {  	_ = 	snop;
	(pc) =	sbr.rel .LBB3_9-.Ltmp11, $3  }
0x141: {  	_ =	sdelay $0x1  }
0x142: {  	(ifvalue) =	ssetifvalue $0xFFFFFFFF  }
0x143: {  	[hbm4b:s1+s16] =	stream.indirect_vreg.scatter [tilespmem:s26], [sflag:$0x9], $0x1, v3, vm0, $0x4038;
	[tilespmem:$0x11A60] =	vst v63  }
.LBB3_10:
0x144: {  	_ =	sfence.sel $0x180000  }
0x145: {  	s0 =	simm.s32 $0x7;
	[bflag:$0x0] =	sbarrier.arrive $0xFFFF  }
0x146: {  	s26 =	simm.s32 $0x8;
	[sflag:s0] =	ssyncpa.u1 $0x1  }
0x147: {  	s28 =	simm.s32 $0x9;
	[sflag:s26] =	ssyncpa.u1 $0x1  }
0x148: {  	[sflag:s28] =	ssyncpa.u1 $0x1  }
0x149: {  	_ =	sfence.stream.spmem  }
0x14a: {  	s29 =	simm.s32 $0x3;
	[bflag:$0x0] =	sbarrier.arrive $0xFFFF  }
0x14b: {  	s30 =	simm.s32 $0x4;
	[sflag:s29] =	ssyncpa.u1 $0x1  }
0x14c: {  	s31 =	simm.s32 $0x3C;
	s2 =	stileid.u32;
	[sflag:s30] =	ssyncpa.u1 $0x1  }
0x14d: {  	p0 =	sne.s32 s2, $0x0;
	[sflag:s31] =	ssyncpa.u1 $0x1  }
0x14e: {  	s0 =	simm.s32 @p0 $0x1;
	_ =	sfence @p0  }
0x14f: {  	[sflag:s0] =	ssyncpa.u1 @p0 $0x1;
	s0 =	simm.s32 @p0 $0x2  }
0x150: {  	[sflag:s0] =	ssyncpa.u1 @p0 $0x1  }
0x151: {  	_ =	strace @p0 $0x90000050  }
0x152: {  	[bflag:$0x2] =	sbarrier.arrive @p0 $0xFFFF  }
0x153: {  	_ =	shalt @p0  }
.LBB3_11:
0x154: {  	_ =	sfence.stream.spmem;
	s0 =	simm.s32 $0x5  }
0x155: {  	s2 =	simm.s32 $0x80;
	s3 =	simm.s32 $0xC0;
	[sflag:s0] =	ssyncpa.u1 $0x0  }
0x156: {  	[tilespmem:s3], [sflag:$0x5] =	stream.linear.gather [spmem:s2], $0x20, $0x38;
	[tilespmem:$0x11A60] =	vst v63  }
0x157: {  	s2 =	simm.s32 $0x0;
	s3 =	simm.s32 $0xE0  }
0x158: {  	[tilespmem:s3], [sflag:$0x5] =	stream.linear.gather [spmem:s2], $0x20, $0x38;
	[tilespmem:$0x11A60] =	vst v63  }
.Ltmp12:
0x159: {  	_ = 	snop;
	(pc) =	sbr.rel .LBB3_12-.Ltmp12, $4  }
0x15a: {  	_ =	swait.ge [sflag:s0], $0x40  }
0x15b: {  	[sflag:s0] =	ssyncset.done $0x0  }
0x15c: {  	s31 =	simm.s32 $0x6;
	[sflag:s0] =	ssyncadd.s32 $0xFFFFFFC0  }
0x15d: {  	s4 =	simm.s32 $0x0;
	[sflag:s31] =	ssyncpa.u1 $0x0  }
.LBB3_17:
0x15e: {  	p0 =	sgt.u32 s5, $0x257FFF  }
0x15f: {  	s0 =	sshrl.u32 @!p0 s5, $0x3  }
0x160: {  	s5 =	sand.u32 @!p0 $0x7, s5;
	s6 =	simm.s32 @!p0 $0xB0;
	s0 =	sadd.s32 @!p0 s1, s0  }
0x161: {  	[tilespmem:s6], [sflag:$0x6] =	stream.linear.gather @!p0 [hbm4b:s0+s5], $0x1, $0x38;
	[tilespmem:$0x11A60] =	vst v63  }
0x162: {  	s0 =	simm.s32 @!p0 $0x6  }
0x163: {  	_ =	swait.ge @!p0 [sflag:s0], $0x1  }
0x164: {  	[sflag:s0] =	ssyncset.done @!p0 $0x0  }
0x165: {  	[sflag:s0] =	ssyncadd.s32 @!p0 $0xFFFFFFFF  }
0x166: {  	v2 =	vmov @!p0 s4;
	v1 =	vld.msk @!p0 [tilespmem:$0xB0], $0x1;
	_ =	sdelay $0x3  }
0x167: {  	s0 =	simm.s32 @!p0 $0xE0  }
0x168: {  	[tilespmem:v2+s0+$0x0], v1 =	vst.idx.ret.add.f32.msk @!p0 $0x1, v1  }
0x169: {  	[tilespmem:s2+$0xC0] =	vst.msk $0x1, v0  }
0x16a: {  	v0 =	vld.msk [tilespmem:s4+$0xE0], $0x1;
	_ =	sdelay $0x4  }
0x16b: {  	[tilespmem:s2+$0xE0] =	vst.msk $0x1, v0;
	s2 =	sadd.s32 $0x1, s2  }
.LBB3_19:
0x16c: {  	s4 =	sadd.s32 $0x1, s4  }
0x16d: {  	p0 =	sne.s32 s4, $0x20  }
.Ltmp13:
0x16e: {  	_ = 	snop;
	(pc) =	sbr.rel @!p0 .LBB3_20-.Ltmp13, $1  }
0x16f: {  	_ =	sdelay $0x3  }
.LBB3_12:
0x170: {  	v0 =	vld.msk [tilespmem:s4+$0xC0], $0x1;
	_ =	sdelay $0x4  }
0x171: {  	(v2sf) =	vpush v0, $0x0;
	_ =	sdelay $0xe  }
0x172: {  	s5 =	spop (v2sf)  }
0x173: {  	p0 =	seq.s32 s5, $0xFFFFFFFF  }
.Ltmp14:
0x174: {  	_ = 	snop;
	(pc) =	sbr.rel @p0 .LBB3_19-.Ltmp14, $1  }
0x175: {  	_ =	sdelay $0x3  }
0x176: {  	p0 =	slt.s32 s2, $0x1  }
.Ltmp15:
0x177: {  	_ = 	snop;
	(pc) =	sbr.rel @p0 .LBB3_17-.Ltmp15, $1  }
0x178: {  	_ =	sdelay $0x3  }
0x179: {  	s0 =	simm.s32 $0xC0;
	p0 =	por $0x0, $0x0  }
0x17a: {  	v1 =	vld.msk @!p0 [tilespmem:s0+$0x0], $0x1;
	_ =	sdelay $0x4  }
0x17b: {  	(v2sf) =	vpush @!p0 v1, $0x0;
	_ =	sdelay $0xd  }
0x17c: {  	p2 =	sne.s32 s2, $0x1  }
.Ltmp16:
0x17d: {  	s6 =	spop @!p0 (v2sf);
	(pc) =	sbr.rel @!p2 .LBB3_16-.Ltmp16, $4  }
0x17e: {  	p1 =	seq.s32 @!p0 s5, s6  }
0x17f: {  	s6 =	simm.s32 $0x0;
	p1 =	por !p1, p0  }
0x180: {  	s8 =	simm.s32 $0xFFFFFFFF;
	s6 =	simm.s32 @p1 $0xFFFFFFFF  }
0x181: {  	s7 =	simm.s32 $0x1;
	s6 =	smov.u32 @p0 s8  }
.LBB3_15:
0x182: {  	s8 =	smov.u32 s6;
	p0 =	sne.s32 s6, $0xFFFFFFFF  }
0x183: {  	s0 =	sadd.s32 $0x1, s0;
	s6 =	smov.u32 s7;
	s7 =	sadd.s32 $0x1, s7  }
0x184: {  	p1 =	sne.s32 s2, s7;
	v1 =	vld.msk @!p0 [tilespmem:s0+$0x0], $0x1;
	_ =	sdelay $0x4  }
0x185: {  	(v2sf) =	vpush @!p0 v1, $0x0;
	_ =	sdelay $0xe  }
.Ltmp17:
0x186: {  	s9 =	spop @!p0 (v2sf);
	(pc) =	sbr.rel @p1 .LBB3_15-.Ltmp17, $4  }
0x187: {  	p2 =	seq.s32 @!p0 s5, s9  }
0x188: {  	p2 =	por !p2, p0  }
0x189: {  	s6 =	simm.s32 @p2 $0xFFFFFFFF  }
0x18a: {  	s6 =	smov.u32 @p0 s8  }
.LBB3_16:
0x18b: {  	p0 =	sne.s32 s6, $0xFFFFFFFF  }
.Ltmp18:
0x18c: {  	_ = 	snop;
	(pc) =	sbr.rel @!p0 .LBB3_17-.Ltmp18, $1  }
0x18d: {  	_ =	sdelay $0x3  }
0x18e: {  	v0 =	vld.msk [tilespmem:s4+$0xE0], $0x1;
	v1 =	vmov s6  }
.Ltmp19:
0x18f: {  	_ = 	snop;
	(pc) =	sbr.rel .LBB3_19-.Ltmp19, $2  }
0x190: {  	_ =	sdelay $0x2  }
0x191: {  	[tilespmem:v1+s3+$0x0], v0 =	vst.idx.ret.add.f32.msk $0x1, v0  }
.LBB3_20:
0x192: {  	p0 =	slt.s32 s2, $0x1  }
.Ltmp20:
0x193: {  	_ = 	snop;
	(pc) =	sbr.rel @p0 .LBB3_24-.Ltmp20, $3  }
0x194: {  	_ =	sdelay $0x1  }
0x195: {  	s0 =	simm.s32 $0x6  }
0x196: {  	s3 =	simm.s32 $0x0;
	[sflag:s0] =	ssyncpa.u1 $0x1  }
0x197: {  	s0 =	simm.s32 $0xC0  }
0x198: {  	v0 =	vld.msk [tilespmem:s0+$0x0], $0x1;
	_ =	sdelay $0x4  }
0x199: {  	(v2sf) =	vpush v0, $0x0;
	_ =	sdelay $0xe  }
0x19a: {  	s2 =	sadd.s32 $0xFFFFFFFF, s2;
	s4 =	spop (v2sf)  }
0x19b: {  	p1 =	sne.s32 s2, $0x0;
	p0 =	sgt.u32 s4, $0x257FFF  }
.Ltmp21:
0x19c: {  	s5 =	sshrl.u32 @!p0 s4, $0x3;
	(pc) =	sbr.rel @!p1 .LBB3_23-.Ltmp21, $4  }
0x19d: {  	s0 =	simm.s32 $0xE0;
	s4 =	sand.u32 @!p0 $0x7, s4;
	s5 =	sadd.s32 @!p0 s1, s5  }
0x19e: {  	[hbm4b:s5+s4] =	stream.linear.scatter @!p0 [tilespmem:s0], [sflag:$0x5], $0x1, $0x38;
	[tilespmem:$0x11A60] =	vst v63  }
0x19f: {  	s5 =	simm.s32 $0x0  }
0x1a0: {  	s4 =	simm.s32 $0xC1;
	s5 =	simm.s32 @!p0 $0x4  }
.LBB3_22:
0x1a1: {  	v0 =	vld.msk [tilespmem:s4+$0x0], $0x1;
	s2 =	sadd.s32 $0xFFFFFFFF, s2;
	s3 =	sadd.s32 s3, s5  }
0x1a2: {  	p0 =	sne.s32 s2, $0x0;
	_ =	sdelay $0x3  }
0x1a3: {  	(v2sf) =	vpush v0, $0x0;
	_ =	sdelay $0xe  }
.Ltmp22:
0x1a4: {  	s6 =	spop (v2sf);
	(pc) =	sbr.rel @p0 .LBB3_22-.Ltmp22, $4  }
0x1a5: {  	s5 =	simm.s32 $0x0;
	p1 =	sgt.u32 s6, $0x257FFF  }
0x1a6: {  	s0 =	sadd.s32 $0x1, s0;
	s5 =	simm.s32 @!p1 $0x4;
	s7 =	sshrl.u32 @!p1 s6, $0x3  }
0x1a7: {  	s4 =	sadd.s32 $0x1, s4;
	s6 =	sand.u32 @!p1 $0x7, s6;
	s7 =	sadd.s32 @!p1 s1, s7  }
0x1a8: {  	[hbm4b:s7+s6] =	stream.linear.scatter @!p1 [tilespmem:s0], [sflag:$0x5], $0x1, $0x38;
	[tilespmem:$0x11A60] =	vst v63  }
.LBB3_23:
0x1a9: {  	s0 =	sadd.s32 s3, s5  }
0x1aa: {  	s3 =	sshrl.u32 s0, $0x2  }
.LBB3_24:
0x1ab: {  	s0 =	simm.s32 $0x5  }
0x1ac: {  	_ =	swait.ge [sflag:s0], s3  }
0x1ad: {  	s1 =	ssub.s32 $0x0, s3;
	[sflag:s0] =	ssyncset.done $0x0  }
0x1ae: {  	[sflag:s0] =	ssyncadd.s32 s1  }
0x1af: {  	[sflag:s0] =	ssyncpa.u1 $0x1  }
0x1b0: {  	s29 =	simm.s32 $0x1;
	_ =	sfence  }
0x1b1: {  	s30 =	simm.s32 $0x2;
	[sflag:s29] =	ssyncpa.u1 $0x1  }
0x1b2: {  	[sflag:s30] =	ssyncpa.u1 $0x1  }
0x1b3: {  	_ =	strace $0x90000050  }
0x1b4: {  	[bflag:$0x2] =	sbarrier.arrive $0xFFFF  }
0x1b5: {  	s31 =	rddreg [dreg:$0x1]  }
0x1b6: {  	s0 =	sadd.s32 $0x100000, s31  }
0x1b7: {  	[sflag:s0] =	ssyncadd.tile.s32 $0x1;
	_ =	shalt  }
.Lfunc_end3:
_tile_overlayer_lowered:
.L_overlay_start_3:
0x1b8: {  	(tag) =	ssettag $0x3  }
0x1b9: {  	s0 =	rddreg [dreg:$0x0];
	s2 =	stileid.u32  }
0x1ba: {  	s1 =	rddreg [dreg:$0x1];
	p0 =	sne.s32 s2, $0x0  }
0x1bb: {  	s3 =	rddreg [dreg:$0x2];
	[bflag:$0x3] =	sbarrier.arrive $0xFFFF;
	s2 =	simm.s32 @!p0 $0x1C01  }
0x1bc: {  	[timem:s3], [sflag:s2] =	dma.local @!p0 [hbm:s0], s1  }
0x1bd: {  	s0 =	simm.s32 @!p0 $0x1  }
0x1be: {  	_ =	swait.ge @!p0 [sflag:s0], s1  }
0x1bf: {  	s1 =	ssub.s32 @!p0 $0x0, s1;
	[sflag:s0] =	ssyncset.done @!p0 $0x0  }
0x1c0: {  	[sflag:s0] =	ssyncadd.s32 @!p0 s1  }
0x1c1: {  	[bflag:$0x3] =	sbarrier.arrive $0xFFFF  }
0x1c2: {  	_ =	shalt  }

// kernel: scatter_offload_async_start
scs
__scs_entry_jumppad:
0x0: {  	(pc) =	sbr.rel $0x88, $3  }
0x1: {  	(tag) =	ssettag $0x0;
	lr =	simm.s32 $0x1  }
0x2: {  	[smem:$0x3FA0] =	sst lr;
	_ =	strace $0xD0000000  }
0x3: {  	_ = 	snop  }
0x4: {  	_ = 	snop  }
0x5: {  	_ = 	snop  }
0x6: {  	_ = 	snop  }
0x7: {  	_ = 	snop  }
__scs_overlays_trampoline_lowered:
0x8: {  	[smem:$0x3FAF] =	sst s0  }
0x9: {  	[smem:$0x3FB0] =	sst s1  }
0xa: {  	[smem:$0x3FB1] =	sst s2  }
0xb: {  	[smem:$0x3FB2] =	sst s3  }
0xc: {  	[smem:$0x3FB3] =	sst s4  }
0xd: {  	[smem:$0x3FB4] =	sst s5  }
0xe: {  	[smem:$0x3FB5] =	sst s6  }
0xf: {  	[smem:$0x3FB6] =	sst s7  }
0x10: {  	[smem:$0x3FB7] =	sst s8  }
0x11: {  	[smem:$0x3FB8] =	sst s9;
	s0 =	simm.s32 @!p0 $0x0  }
0x12: {  	s1 =	sld [smem:$0x3F9E];
	s0 =	simm.s32 @p0 $0x1  }
0x13: {  	[smem:$0x3FB9] =	sst s0;
	s0 =	simm.s32 @!p1 $0x0  }
0x14: {  	s2 =	sld [smem:$0x3F9D];
	s0 =	simm.s32 @p1 $0x1  }
0x15: {  	[smem:$0x3FBA] =	sst s0;
	s0 =	simm.s32 @!p2 $0x0  }
0x16: {  	s3 =	sld [smem:$0x3FDB];
	s0 =	simm.s32 @p2 $0x1  }
0x17: {  	s4 =	simm.s32 $0x1BF5;
	[smem:$0x3FBC] =	sst s0  }
0x18: {  	s0 =	sld [smem:$0x3F9F];
	_ =	swait.ge [sflag:s4], $0x0  }
0x19: {  	s7 =	sld [smem:$0x3FA0]  }
0x1a: {  	s8 =	sadd.s32 $0xFFFFE003, lr  }
0x1b: {  	s9 =	sadd.s32 $0xFFFFFEF7, lr;
	s5 =	simm.s32 $0xFFFFFFFF;
	p2 =	slt.u32 s8, $0xFFFFF086  }
0x1c: {  	p1 =	slt.u32 s9, $0xF7A;
	s5 =	simm.s32 @!p2 $0x0  }
0x1d: {  	s5 =	simm.s32 @p1 $0x1;
	p0 =	seq.s32 s7, s2  }
0x1e: {  	s7 =	smul.u32 @!p0 $0xF7A, s2;
	p2 =	seq.s32 @!p0 s5, $0x0  }
0x1f: {  	s9 =	smul.u32 $0xF7A, s1;
	s8 =	simm.s32 @!p0 $0x1BF5;
	p2 =	por !p2, p0  }
0x20: {  	[sflag:s8] =	ssyncset.s32 @!p0 $0xFFFFF086;
	s6 =	sadd.s32 @!p0 s3, s7;
	s7 =	simm.s32 @!p0 $0x108  }
0x21: {  	s3 =	sadd.s32 s3, s9;
	s6 =	sadd.s32 @!p0 $0x88, s6;
	s7 =	simm.s32 @p2 $0x1082  }
0x22: {  	[simem:s7], [sflag:s8] =	dma.local @!p0 [hbm:s6], $0xF7A  }
0x23: {  	s9 =	sor.u32 $0xD0000000, s2;
	s6 =	simm.s32 $0x108;
	_ =	swait.ge @!p0 [sflag:s8], $0x0  }
0x24: {  	s3 =	sadd.s32 $0x88, s3;
	s6 =	simm.s32 @!p1 $0x1082;
	[sflag:s4] =	ssyncset.s32 $0xFFFFF086  }
0x25: {  	[simem:s6], [sflag:s4] =	dma.local [hbm:s3], $0xF7A  }
0x26: {  	[smem:$0x3FA0] =	sst s1;
	(tag) =	ssettag s2;
	_ =	strace s9  }
0x27: {  	s1 =	sld [smem:$0x3FB0]  }
0x28: {  	s2 =	sld [smem:$0x3FB1]  }
0x29: {  	s4 =	sld [smem:$0x3FB3]  }
0x2a: {  	p0 =	seq.s32 s5, $0x0;
	s5 =	sld [smem:$0x3FB4]  }
0x2b: {  	s6 =	sld [smem:$0x3FB5]  }
0x2c: {  	s7 =	sld [smem:$0x3FB6]  }
0x2d: {  	s3 =	simm.s32 $0x108;
	s8 =	sld [smem:$0x3FB7]  }
0x2e: {  	s3 =	simm.s32 @!p0 $0x1082;
	s9 =	sld [smem:$0x3FB8]  }
0x2f: {  	lr =	sadd.s32 s0, s3;
	s0 =	sld [smem:$0x3FAF]  }
0x30: {  	s3 =	sld [smem:$0x3FB2]  }
0x31: {  	[smem:$0x3FBB] =	sst s10  }
0x32: {  	s10 =	sld [smem:$0x3FB9];
	_ =	sdelay $0x3  }
0x33: {  	p0 =	seq.s32 s10, $0x1;
	s10 =	sld [smem:$0x3FBB];
	_ =	sdelay $0x3  }
0x34: {  	[smem:$0x3FBB] =	sst s10  }
0x35: {  	s10 =	sld [smem:$0x3FBA];
	_ =	sdelay $0x3  }
0x36: {  	p1 =	seq.s32 s10, $0x1;
	s10 =	sld [smem:$0x3FBB];
	_ =	sdelay $0x3  }
0x37: {  	[smem:$0x3FBB] =	sst s10  }
0x38: {  	s10 =	sld [smem:$0x3FBC]  }
0x39: {  	_ = 	snop;
	(pc) =	sbr.ind lr, $3  }
0x3a: {  	_ = 	snop  }
0x3b: {  	_ = 	snop  }
0x3c: {  	p2 =	seq.s32 s10, $0x1;
	s10 =	sld [smem:$0x3FBB]  }
0x3d: {  	_ =	shalt  }
0x3e: {  	_ =	shalt  }
0x3f: {  	_ =	shalt  }
0x40: {  	_ =	shalt  }
0x41: {  	_ =	shalt  }
0x42: {  	_ =	shalt  }
0x43: {  	_ =	shalt  }
0x44: {  	_ =	shalt  }
0x45: {  	_ =	shalt  }
0x46: {  	_ =	shalt  }
0x47: {  	_ =	shalt  }
0x48: {  	_ =	shalt  }
0x49: {  	_ =	shalt  }
0x4a: {  	_ =	shalt  }
0x4b: {  	_ =	shalt  }
0x4c: {  	_ =	shalt  }
0x4d: {  	_ =	shalt  }
0x4e: {  	_ =	shalt  }
0x4f: {  	_ =	shalt  }
0x50: {  	_ =	shalt  }
0x51: {  	_ =	shalt  }
0x52: {  	_ =	shalt  }
0x53: {  	_ =	shalt  }
0x54: {  	_ =	shalt  }
0x55: {  	_ =	shalt  }
0x56: {  	_ =	shalt  }
0x57: {  	_ =	shalt  }
0x58: {  	_ =	shalt  }
0x59: {  	_ =	shalt  }
0x5a: {  	_ =	shalt  }
0x5b: {  	_ =	shalt  }
0x5c: {  	_ =	shalt  }
0x5d: {  	_ =	shalt  }
0x5e: {  	_ =	shalt  }
0x5f: {  	_ =	shalt  }
0x60: {  	_ =	shalt  }
0x61: {  	_ =	shalt  }
0x62: {  	_ =	shalt  }
0x63: {  	_ =	shalt  }
0x64: {  	_ =	shalt  }
0x65: {  	_ =	shalt  }
0x66: {  	_ =	shalt  }
0x67: {  	_ =	shalt  }
0x68: {  	_ =	shalt  }
0x69: {  	_ =	shalt  }
0x6a: {  	_ =	shalt  }
0x6b: {  	_ =	shalt  }
0x6c: {  	_ =	shalt  }
0x6d: {  	_ =	shalt  }
0x6e: {  	_ =	shalt  }
0x6f: {  	_ =	shalt  }
0x70: {  	_ =	shalt  }
0x71: {  	_ =	shalt  }
0x72: {  	_ =	shalt  }
0x73: {  	_ =	shalt  }
0x74: {  	_ =	shalt  }
0x75: {  	_ =	shalt  }
0x76: {  	_ =	shalt  }
0x77: {  	_ =	shalt  }
0x78: {  	_ =	shalt  }
0x79: {  	_ =	shalt  }
0x7a: {  	_ =	shalt  }
0x7b: {  	_ =	shalt  }
0x7c: {  	_ =	shalt  }
0x7d: {  	_ =	shalt  }
0x7e: {  	_ =	shalt  }
0x7f: {  	_ =	shalt  }
0x80: {  	_ =	shalt  }
0x81: {  	_ =	shalt  }
0x82: {  	_ =	shalt  }
0x83: {  	_ =	shalt  }
0x84: {  	_ =	shalt  }
0x85: {  	_ =	shalt  }
0x86: {  	_ =	shalt  }
0x87: {  	_ =	shalt  }
.Lfunc_end0:
.L_simem_size_0:
called_computation_lowered:
.L_overlay_start_0:
0x88: {  	s0 =	sld [smem:$0x3FD9]  }
0x89: {  	s1 =	sld [smem:$0x3FFE];
	_ =	sdelay $0x3  }
0x8a: {  	s0 =	sadd.s32 s1, s0  }
0x8b: {  	[smem:$0x3FC7] =	sst s0  }
0x8c: {  	_ = 	snop  }
0x8d: {  	s14 =	sld [smem:$0x3FD0];
	(tm) =	ssettm $0x1  }
0x8e: {  	s15 =	sld [smem:$0x3FFB];
	_ =	sdelay $0x3  }
0x8f: {  	_ =	strace s15  }
0x90: {  	s0 =	sld [smem:$0x3FFC];
	_ =	sdelay $0x3  }
0x91: {  	_ =	strace s0  }
0x92: {  	s0 =	sld [smem:$0x3FFD];
	_ =	sdelay $0x3  }
0x93: {  	_ =	strace s0  }
0x94: {  	_ =	strace $0x8FFFFFFF  }
0x95: {  	s16 =	sld [smem:$0x3FDB];
	_ =	sdelay $0x1  }
0x96: {  	s2 =	simm.s32 $_scs_section_size  }
0x97: {  	s3 =	simm.s32 $_size__tile_overlayer_lowered;
	s4 =	simm.s32 $_tile_overlayer_lowered  }
0x98: {  	s5 =	simm.s32 $0x1BFF;
	s17 =	sshll.u32 s4, $0x1;
	s2 =	sadd.s32 s2, s16  }
0x99: {  	s18 =	simm.s32 $0x0;
	s3 =	sshll.u32 s3, $0x1;
	s4 =	sadd.s32 s17, s2  }
0x9a: {  	[timem:s18], [sflag:s5] =	dma.local [hbm:s4], s3  }
0x9b: {  	_ =	swait.ge [sflag:s5], s3  }
0x9c: {  	s3 =	ssub.s32 $0x0, s3;
	[sflag:s5] =	ssyncset.done $0x0  }
0x9d: {  	[sflag:s5] =	ssyncadd.s32 s3;
	_ =	sdelay $0x1  }
0x9e: {  	s19 =	simm.s32 $0x1B8B  }
0x9f: {  	_ =	swait.ge [sflag:s19], $0x1  }
0xa0: {  	[sflag:s19] =	ssyncset.done $0x0  }
0xa1: {  	s21 =	simm.s32 $0x1B8E;
	s20 =	sld [smem:$0x3FFE];
	[sflag:s19] =	ssyncadd.s32 $0xFFFFFFFF  }
0xa2: {  	s22 =	simm.s32 $execute0_lowered;
	[smem:$0x3FD2] =	sst s21  }
0xa3: {  	s4 =	sshll.u32 s22, $0x1;
	_ =	strace $0x80000046;
	[dreg:$0x1] =	wrdreg $0xFFFFFFFF  }
0xa4: {  	s23 =	simm.s32 $_size_execute0_lowered;
	s4 =	sadd.s32 s2, s4;
	[dreg:$0x0] =	wrdreg $0x0  }
0xa5: {  	s5 =	sshll.u32 s23, $0x1;
	[dreg:$0x2] =	wrdreg s4  }
0xa6: {  	[dreg:$0x3] =	wrdreg s5  }
0xa7: {  	[dreg:$0x4] =	wrdreg $0xC0  }
0xa8: {  	s24 =	simm.s32 $execute1_lowered;
	_ =	task [dreg:s18], $0x5FFFF  }
0xa9: {  	s4 =	sshll.u32 s24, $0x1;
	[dreg:$0x1] =	wrdreg $0xFFFFFFFF  }
0xaa: {  	s2 =	sadd.s32 s2, s4;
	[dreg:$0x0] =	wrdreg $0x60  }
0xab: {  	[dreg:$0x2] =	wrdreg s2  }
0xac: {  	[dreg:$0x3] =	wrdreg s14  }
0xad: {  	[dreg:$0x4] =	wrdreg s20  }
0xae: {  	[dreg:$0x5] =	wrdreg $0x9  }
0xaf: {  	_ =	task.clear_ibuf [dreg:s18], $0x6FFFF;
	_ =	strace $0x90000046  }
0xb0: {  	s25 =	simm.s32 $0x9;
	_ =	strace $0x80000048  }
0xb1: {  	_ =	swait.ge [sflag:s25], $0x1  }
0xb2: {  	[sflag:s25] =	ssyncadd.s32 $0xFFFFFFFF  }
0xb3: {  	_ =	strace $0x90000048  }
0xb4: {  	_ =	strace $0x80000049;
	[dreg:$0x1] =	wrdreg $0xFFFFFFFF  }
0xb5: {  	[dreg:$0x0] =	wrdreg $0x2030  }
0xb6: {  	[dreg:$0x2] =	wrdreg s20  }
0xb7: {  	[dreg:$0x3] =	wrdreg $0xA  }
0xb8: {  	_ =	task.clear_ibuf [dreg:s18], $0x4FFFF;
	_ =	strace $0x90000049  }
0xb9: {  	s26 =	simm.s32 $0xA;
	_ =	strace $0x8000004B  }
0xba: {  	_ =	swait.ge [sflag:s26], $0x1  }
0xbb: {  	[sflag:s26] =	ssyncadd.s32 $0xFFFFFFFF  }
0xbc: {  	_ =	strace $0x9000004B  }
0xbd: {  	_ =	sfence  }
0xbe: {  	s28 =	sld [smem:$0x0];
	_ =	sdelay $0x1  }
0xbf: {  	s29 =	srdreg.scid  }
0xc0: {  	s30 =	sshll.u32 s29, $0xD;
	s31 =	sshrl.u32 s29, $0x2  }
0xc1: {  	s3 =	sand.u32 $0x4000, s30;
	s2 =	sand.u32 $0x1, s29;
	s1 =	sadd.s32 s31, s28  }
0xc2: {  	s2 =	sor.u32 s3, s2;
	s1 =	sshll.u32 s1, $0x11  }
0xc3: {  	s1 =	sor.u32 s1, s2  }
0xc4: {  	s1 =	sadd.s32 $0x8F2B, s1  }
0xc5: {  	[sflag:s1] =	ssyncadd.remote.s32 $0x1  }
0xc6: {  	_ =	sfence.sel $0xFFFF  }
0xc7: {  	[dreg:$0x0] =	wrdreg $0xFFFFFFFF;
	(pc) =	sbr.abs _section_cstart, $3  }
0xc8: {  	[dreg:$0x1] =	wrdreg $0xFFFFFFFF  }
0xc9: {  	_ =	task.clear_ibuf [dreg:s18], $0x2FFFF;
	_ =	strace $0x9FFFFFFF  }
0xca: {  	(tm) =	ssettm $0x7FFFFFFF  }
0xcb: {  	_ =	shalt  }
tec
execute0_lowered:
.L_overlay_start_1:
0x0: {  	(tag) =	ssettag $0x1  }
0x1: {  	s4 =	rddreg [dreg:$0x0]  }
0x2: {  	s2 =	rddreg [dreg:$0x1];
	s6 =	stileid.u32  }
0x3: {  	s5 =	rddreg [dreg:$0x2];
	s3 =	smul.u32 $0x3C00, s6  }
0x4: {  	s0 =	rddreg [dreg:$0x3];
	[bflag:$0x3] =	sbarrier.arrive $0xFFFF;
	s1 =	simm.s32 $_size_execute1_lowered  }
0x5: {  	s1 =	sshll.u32 s1, $0x1;
	p0 =	sne.s32 s6, $0x0;
	s28 =	ssub.s32 $0x258000, s3  }
0x6: {  	s7 =	simm.s32 @!p0 $0x1C3F;
	s8 =	simm.s32 @!p0 $0x4060;
	s9 =	smulhi.u32 $0x444445, s28  }
0x7: {  	[timem:s8], [sflag:s7] =	dma.local @!p0 [hbm:s4], s1  }
0x8: {  	s29 =	sshrl.u32 s9, $0x8  }
0x9: {  	s30 =	smul.u32 $0x3C000, s29  }
.Ltmp0:
0xa: {  	s31 =	simm.s32 $0x2;
	s10 =	simm.s32 $0x0;
	(pc) =	sbr.rel .LBB2_1-.Ltmp0, $4  }
0xb: {  	s6 =	simm.s32 $0x1;
	s5 =	sadd.s32 $0x2DCC00, s5;
	p1 =	sne.s32 s28, s30  }
0xc: {  	s4 =	simm.s32 $0x1;
	_ =	strace $0x80000047;
	s6 =	simm.s32 @!p1 $0x0  }
0xd: {  	s8 =	smov.u32 s3;
	[sflag:s4] =	ssyncpa.u1 $0x0;
	s6 =	sadd.s32 s6, s29  }
0xe: {  	[sflag:s31] =	ssyncpa.u1 $0x0;
	s9 =	simm.s32 $0x0;
	s7 =	sadd.s32 $0x1, s6  }
.LBB2_4:
0xf: {  	[tilespmem:s11+$0xB0] =	vst v0  }
0x10: {  	[tilespmem:s11+$0xC0] =	vst v1  }
0x11: {  	[tilespmem:s11+$0xD0] =	vst v2  }
0x12: {  	[tilespmem:s11+$0xE0] =	vst v3;
	s13 =	sshrl.u32 s10, $0x3  }
0x13: {  	[tilespmem:s11+$0xFFFFFF00] =	vst v4;
	s31 =	sand.u32 $0x7, s10;
	s30 =	sadd.s32 s5, s13  }
0x14: {  	[hbm4b:s30+s31] =	stream.linear.scatter [tilespmem:s12], [sflag:$0x2], $0x3C00, $0x38;
	[tilespmem:$0xF000] =	vst v63  }
.LBB2_5:
0x15: {  	s12 =	sadd.s32 $0x3C000, s8  }
0x16: {  	p2 =	sgt.s32 s12, $0x257FFF  }
0x17: {  	s12 =	smov.u32 @p2 s3;
	p2 =	sne.s32 s9, s7  }
.Ltmp1:
0x18: {  	p1 =	slt.u32 s9, $0x2;
	(pc) =	sbr.rel @!p2 .LBB2_6-.Ltmp1, $4  }
0x19: {  	s11 =	simm.s32 @!p1 $0x2  }
0x1a: {  	_ =	swait.ge @!p1 [sflag:s11], $0x3C00  }
0x1b: {  	s13 =	sadd.s32 $0x1, s9;
	s10 =	smov.u32 s8;
	[sflag:s11] =	ssyncset.done @!p1 $0x0  }
0x1c: {  	s9 =	smov.u32 s13;
	s8 =	smov.u32 s12;
	[sflag:s11] =	ssyncadd.s32 @!p1 $0xFFFFC400  }
.LBB2_1:
0x1d: {  	p1 =	sge.u32 s9, s6  }
0x1e: {  	s11 =	sxor.u32 @!p1 $0xFFFFFFFF, s9  }
0x1f: {  	s11 =	sand.u32 @!p1 $0x1, s11  }
0x20: {  	s11 =	smul.u32 @!p1 $0xF000, s11  }
0x21: {  	s31 =	sadd.s32 $0xFFFFFFFF, s9;
	s12 =	sshrl.u32 @!p1 s8, $0x3  }
0x22: {  	s13 =	sand.u32 @!p1 $0x7, s8;
	s12 =	sadd.s32 @!p1 s2, s12;
	s11 =	sshrl.u32 @!p1 s11, $0x2  }
0x23: {  	[tilespmem:s11], [sflag:$0x1] =	stream.linear.gather @!p1 [hbm4b:s12+s13], $0x3C00, $0x38;
	[tilespmem:$0xF000] =	vst v63  }
0x24: {  	p1 =	sge.u32 s31, s6  }
.Ltmp2:
0x25: {  	_ = 	snop;
	(pc) =	sbr.rel @p1 .LBB2_5-.Ltmp2, $1  }
0x26: {  	_ =	sdelay $0x3  }
0x27: {  	s11 =	sand.u32 $0x1, s9  }
0x28: {  	_ =	swait.ge [sflag:s4], $0x3C00;
	s12 =	simm.s32 $0x3C00;
	p1 =	seq.s32 s11, $0x1  }
0x29: {  	[sflag:s4] =	ssyncset.done $0x0;
	s12 =	simm.s32 @!p1 $0x0  }
0x2a: {  	[sflag:s4] =	ssyncadd.s32 $0xFFFFC400;
	s14 =	sor.u32 $0x100, s12  }
0x2b: {  	v0 =	vld [tilespmem:s14+$0xF0]  }
0x2c: {  	v1 =	vld [tilespmem:s14+$0xFFFFFF10]  }
0x2d: {  	v2 =	vld [tilespmem:s14+$0xFFFFFF20]  }
0x2e: {  	v3 =	vld [tilespmem:s14+$0xFFFFFF30]  }
0x2f: {  	s11 =	sadd.s32 $0x7900, s12;
	v4 =	vld [tilespmem:s14+$0xFFFFFF40]  }
0x30: {  	v5 =	vld [tilespmem:s14+$0xFFFFFF50];
	[tilespmem:s11+$0xF0] =	vst v0  }
0x31: {  	[tilespmem:s11+$0xFFFFFF10] =	vst v1;
	v0 =	vld [tilespmem:s14+$0xFFFFFF60]  }
0x32: {  	[tilespmem:s11+$0xFFFFFF20] =	vst v2;
	v1 =	vld [tilespmem:s14+$0xFFFFFF70]  }
0x33: {  	[tilespmem:s11+$0xFFFFFF30] =	vst v3;
	v2 =	vld [tilespmem:s14+$0xFFFFFF80]  }
0x34: {  	[tilespmem:s11+$0xFFFFFF40] =	vst v4;
	v3 =	vld [tilespmem:s14+$0xFFFFFF90]  }
0x35: {  	[tilespmem:s11+$0xFFFFFF50] =	vst v5;
	v4 =	vld [tilespmem:s14+$0xFFFFFFA0]  }
0x36: {  	v5 =	vld [tilespmem:s14+$0xA0];
	[tilespmem:s11+$0xFFFFFF60] =	vst v0  }
0x37: {  	v0 =	vld [tilespmem:s14+$0xFFFFFFB0];
	[tilespmem:s11+$0xFFFFFF70] =	vst v1  }
0x38: {  	v1 =	vld [tilespmem:s14+$0xFFFFFFC0];
	[tilespmem:s11+$0xFFFFFF80] =	vst v2  }
0x39: {  	v2 =	vld [tilespmem:s14+$0xFFFFFFD0];
	[tilespmem:s11+$0xFFFFFF90] =	vst v3  }
0x3a: {  	v3 =	vld [tilespmem:s14+$0xFFFFFFE0];
	[tilespmem:s11+$0xFFFFFFA0] =	vst v4  }
0x3b: {  	v4 =	vld [tilespmem:s14+$0xFFFFFFF0];
	[tilespmem:s11+$0xA0] =	vst v5  }
0x3c: {  	[tilespmem:s11+$0xFFFFFFB0] =	vst v0;
	v0 =	vld [tilespmem:s14+$0x0]  }
0x3d: {  	[tilespmem:s11+$0xFFFFFFC0] =	vst v1;
	v1 =	vld [tilespmem:s14+$0x10]  }
0x3e: {  	[tilespmem:s11+$0xFFFFFFD0] =	vst v2;
	v2 =	vld [tilespmem:s14+$0x20]  }
0x3f: {  	[tilespmem:s11+$0xFFFFFFE0] =	vst v3;
	v3 =	vld [tilespmem:s14+$0x30]  }
0x40: {  	[tilespmem:s11+$0xFFFFFFF0] =	vst v4;
	v4 =	vld [tilespmem:s14+$0x40]  }
0x41: {  	[tilespmem:s11+$0x0] =	vst v0;
	v0 =	vld [tilespmem:s14+$0x50]  }
0x42: {  	[tilespmem:s11+$0x10] =	vst v1;
	v1 =	vld [tilespmem:s14+$0x60]  }
0x43: {  	[tilespmem:s11+$0x20] =	vst v2;
	v2 =	vld [tilespmem:s14+$0x70]  }
0x44: {  	[tilespmem:s11+$0x30] =	vst v3;
	v3 =	vld [tilespmem:s14+$0x80]  }
0x45: {  	[tilespmem:s11+$0x40] =	vst v4;
	v4 =	vld [tilespmem:s14+$0x90]  }
0x46: {  	[tilespmem:s11+$0x50] =	vst v0;
	v0 =	vld [tilespmem:s14+$0xB0]  }
0x47: {  	[tilespmem:s11+$0x60] =	vst v1;
	v1 =	vld [tilespmem:s14+$0xC0]  }
0x48: {  	[tilespmem:s11+$0x70] =	vst v2;
	v2 =	vld [tilespmem:s14+$0xD0]  }
0x49: {  	[tilespmem:s11+$0x80] =	vst v3;
	v3 =	vld [tilespmem:s14+$0xE0]  }
0x4a: {  	s13 =	simm.s32 $0x0;
	s12 =	sadd.s32 $0x7800, s12;
	[tilespmem:s11+$0x90] =	vst v4;
	v4 =	vld [tilespmem:s14+$0xFFFFFF00];
	s14 =	sadd.s32 $0x200, s14  }
.LBB2_3:
0x4b: {  	v5 =	vld [tilespmem:s14+$0xF0];
	s13 =	sadd.s32 $0x200, s13;
	[tilespmem:s11+$0xB0] =	vst v0  }
0x4c: {  	v0 =	vld [tilespmem:s14+$0xFFFFFF10];
	p1 =	slt.u32 s13, $0x3A00;
	[tilespmem:s11+$0xC0] =	vst v1  }
0x4d: {  	v1 =	vld [tilespmem:s14+$0xFFFFFF20];
	[tilespmem:s11+$0xD0] =	vst v2  }
0x4e: {  	v2 =	vld [tilespmem:s14+$0xFFFFFF30];
	[tilespmem:s11+$0xE0] =	vst v3  }
0x4f: {  	v3 =	vld [tilespmem:s14+$0xFFFFFF40];
	[tilespmem:s11+$0xFFFFFF00] =	vst v4;
	s11 =	sadd.s32 $0x200, s11  }
0x50: {  	v4 =	vld [tilespmem:s14+$0xFFFFFF50];
	[tilespmem:s11+$0xF0] =	vst v5  }
0x51: {  	[tilespmem:s11+$0xFFFFFF10] =	vst v0;
	v0 =	vld [tilespmem:s14+$0xFFFFFF60]  }
0x52: {  	[tilespmem:s11+$0xFFFFFF20] =	vst v1;
	v1 =	vld [tilespmem:s14+$0xFFFFFF70]  }
0x53: {  	[tilespmem:s11+$0xFFFFFF30] =	vst v2;
	v2 =	vld [tilespmem:s14+$0xFFFFFF80]  }
0x54: {  	[tilespmem:s11+$0xFFFFFF40] =	vst v3;
	v3 =	vld [tilespmem:s14+$0xFFFFFF90]  }
0x55: {  	[tilespmem:s11+$0xFFFFFF50] =	vst v4;
	v4 =	vld [tilespmem:s14+$0xFFFFFFA0]  }
0x56: {  	[tilespmem:s11+$0xFFFFFF60] =	vst v0;
	v0 =	vld [tilespmem:s14+$0xFFFFFFB0]  }
0x57: {  	[tilespmem:s11+$0xFFFFFF70] =	vst v1;
	v1 =	vld [tilespmem:s14+$0xFFFFFFC0]  }
0x58: {  	[tilespmem:s11+$0xFFFFFF80] =	vst v2;
	v2 =	vld [tilespmem:s14+$0xFFFFFFD0]  }
0x59: {  	[tilespmem:s11+$0xFFFFFF90] =	vst v3;
	v3 =	vld [tilespmem:s14+$0xFFFFFFE0]  }
0x5a: {  	[tilespmem:s11+$0xFFFFFFA0] =	vst v4;
	v4 =	vld [tilespmem:s14+$0xFFFFFFF0]  }
0x5b: {  	[tilespmem:s11+$0xFFFFFFB0] =	vst v0;
	v0 =	vld [tilespmem:s14+$0x0]  }
0x5c: {  	[tilespmem:s11+$0xFFFFFFC0] =	vst v1;
	v1 =	vld [tilespmem:s14+$0x10]  }
0x5d: {  	[tilespmem:s11+$0xFFFFFFD0] =	vst v2;
	v2 =	vld [tilespmem:s14+$0x20]  }
0x5e: {  	[tilespmem:s11+$0xFFFFFFE0] =	vst v3;
	v3 =	vld [tilespmem:s14+$0x30]  }
0x5f: {  	[tilespmem:s11+$0xFFFFFFF0] =	vst v4;
	v4 =	vld [tilespmem:s14+$0x40]  }
0x60: {  	[tilespmem:s11+$0x0] =	vst v0;
	v0 =	vld [tilespmem:s14+$0x50]  }
0x61: {  	[tilespmem:s11+$0x10] =	vst v1;
	v1 =	vld [tilespmem:s14+$0x60]  }
0x62: {  	[tilespmem:s11+$0x20] =	vst v2;
	v2 =	vld [tilespmem:s14+$0x70]  }
0x63: {  	[tilespmem:s11+$0x30] =	vst v3;
	v3 =	vld [tilespmem:s14+$0x80]  }
0x64: {  	[tilespmem:s11+$0x40] =	vst v4;
	v4 =	vld [tilespmem:s14+$0x90]  }
0x65: {  	[tilespmem:s11+$0x50] =	vst v0;
	v5 =	vld [tilespmem:s14+$0xA0]  }
.Ltmp3:
0x66: {  	[tilespmem:s11+$0x60] =	vst v1;
	v0 =	vld [tilespmem:s14+$0xB0];
	(pc) =	sbr.rel @p1 .LBB2_3-.Ltmp3, $4  }
0x67: {  	[tilespmem:s11+$0x70] =	vst v2;
	v1 =	vld [tilespmem:s14+$0xC0]  }
0x68: {  	[tilespmem:s11+$0x80] =	vst v3;
	v2 =	vld [tilespmem:s14+$0xD0]  }
0x69: {  	[tilespmem:s11+$0x90] =	vst v4;
	v3 =	vld [tilespmem:s14+$0xE0]  }
0x6a: {  	v4 =	vld [tilespmem:s14+$0xFFFFFF00];
	[tilespmem:s11+$0xA0] =	vst v5;
	s14 =	sadd.s32 $0x200, s14  }
.Ltmp4:
0x6b: {  	_ = 	snop;
	(pc) =	sbr.rel .LBB2_4-.Ltmp4, $1  }
0x6c: {  	_ =	sdelay $0x3  }
.LBB2_6:
0x6d: {  	_ =	sfence.sel $0x180000  }
0x6e: {  	s2 =	simm.s32 $0x1;
	[bflag:$0x0] =	sbarrier.arrive $0xFFFF  }
0x6f: {  	s31 =	simm.s32 $0x2;
	[sflag:s2] =	ssyncpa.u1 $0x1  }
0x70: {  	[sflag:s31] =	ssyncpa.u1 $0x1  }
0x71: {  	_ =	strace $0x90000047  }
0x72: {  	s0 =	sadd.s32 @!p0 $0x100000, s0;
	[bflag:$0x2] =	sbarrier.arrive $0xFFFF  }
0x73: {  	[sflag:s0] =	ssyncadd.tile.s32 @!p0 $0x1;
	s0 =	simm.s32 @!p0 $0x3F  }
0x74: {  	_ =	swait.ge @!p0 [sflag:s0], s1  }
0x75: {  	s1 =	ssub.s32 @!p0 $0x0, s1;
	[sflag:s0] =	ssyncset.done @!p0 $0x0  }
0x76: {  	[sflag:s0] =	ssyncadd.s32 @!p0 s1  }
0x77: {  	[bflag:$0x3] =	sbarrier.arrive $0xFFFF  }
0x78: {  	_ =	shalt  }
.Lfunc_end2:
execute1_lowered:
.L_overlay_start_2:
0x79: {  	(tag) =	ssettag $0x2  }
0x7a: {  	s0 =	rddreg [dreg:$0x0];
	s14 =	stileid.u32  }
0x7b: {  	_ =	strace $0x8000004A;
	s2 =	simm.s32 $0x1;
	s1 =	smul.u32 $0x3E, s14  }
0x7c: {  	v1 =	vimm.s32 $0xFFFFFFFF;
	s3 =	smin.u32 s14, $0x8;
	[sflag:s2] =	ssyncpa.u1 $0x0  }
0x7d: {  	[tilespmem:$0x10] =	vst v1;
	s1 =	sadd.s32 s3, s1  }
0x7e: {  	v0 =	vimm.f32 $0.0e+00;
	p0 =	slt.u32 s14, $0x8;
	[tilespmem:$0x20] =	vst v1;
	s3 =	smul.u32 $0x1F40, s1;
	s1 =	simm.s32 $0x7B0C0  }
0x7f: {  	[tilespmem:$0x30] =	vst v0;
	s1 =	simm.s32 @!p0 $0x79180  }
0x80: {  	[tilespmem:$0x40] =	vst v0;
	s1 =	sadd.s32 s1, s3  }
0x81: {  	[tilespmem:$0x50] =	vst v0;
	s4 =	smin.u32 s1, $0x7A1200  }
0x82: {  	[tilespmem:$0x60] =	vst v1;
	s9 =	ssub.s32 s4, s3  }
0x83: {  	s7 =	simm.s32 $0x2;
	s8 =	simm.s32 $0x8;
	[tilespmem:$0x70] =	vst v1;
	p0 =	sgt.s32 s9, $0x0  }
0x84: {  	s31 =	simm.s32 $0x9;
	s16 =	simm.s32 $0x0;
	[tilespmem:$0x80] =	vst v1;
	s9 =	simm.s32 @!p0 $0x0  }
0x85: {  	s17 =	simm.s32 $0xF0;
	s18 =	simm.s32 $0xFFFFFFFF;
	v1 =	vimm.s32 $0x0;
	[tilespmem:$0xB0] =	vst v0;
	s5 =	smulhi.u32 $0x10624DD3, s9  }
0x86: {  	s19 =	simm.s32 $0xFFFFC280;
	s20 =	simm.s32 $0xFFFFFFFE;
	s21 =	simm.s32 $0xF;
	[tilespmem:$0x90] =	vst v1  }
0x87: {  	[tilespmem:$0xA0] =	vst v1;
	[sflag:s7] =	ssyncpa.u1 $0x0;
	s7 =	simm.s32 $0x7;
	s10 =	sshrl.u32 s5, $0x9  }
0x88: {  	s25 =	simm.s32 $0x0;
	[sflag:s7] =	ssyncpa.u1 $0x0;
	s11 =	smul.u32 $0x1F40, s10  }
0x89: {  	s24 =	simm.s32 $0x0;
	s6 =	sadd.s32 $0xF4400, s0;
	[sflag:s8] =	ssyncpa.u1 $0x0  }
.Ltmp5:
0x8a: {  	[sflag:s31] =	ssyncpa.u1 $0x0;
	p0 =	sne.s32 s9, s11;
	(pc) =	sbr.rel .LBB3_1-.Ltmp5, $4  }
0x8b: {  	s23 =	smov.u32 s3;
	s1 =	sadd.s32 $0x2DCC00, s0;
	s2 =	simm.s32 @!p0 $0x0  }
0x8c: {  	s5 =	sadd.s32 $0x1E8800, s0;
	p0 =	por $0x0, $0x0;
	s9 =	sadd.s32 s2, s10  }
0x8d: {  	vm0 =	vmmov $0xffff;
	v2 =	vlaneseq.u32;
	s10 =	sshll.u32 s14, $0x1;
	s14 =	sshllo.u32 s14, $0x1;
	s11 =	sadd.s32 $0x1, s9  }
0x8e: {  	vm1 =	vmxor vm1, vm1;
	vm2 =	vmmov $0x1;
	vm3 =	vcmask $0x3F3C;
	s12 =	sadd.s32 $0x2, s9;
	s13 =	sor.u32 $0x81, s10;
	s15 =	sor.u32 $0x80, s10  }
.LBB3_9:
0x8f: {  	p1 =	slt.u32 s24, $0x3  }
0x90: {  	s0 =	simm.s32 @!p1 $0x2  }
0x91: {  	_ =	swait.ge @!p1 [sflag:s0], $0x1F40  }
0x92: {  	[sflag:s0] =	ssyncset.done @!p1 $0x0  }
0x93: {  	[sflag:s0] =	ssyncadd.s32 @!p1 $0xFFFFE0C0;
	s0 =	simm.s32 @!p1 $0x9  }
0x94: {  	_ =	swait.ge @!p1 [sflag:s0], $0x10  }
0x95: {  	[sflag:s0] =	ssyncset.done @!p1 $0x0  }
0x96: {  	[sflag:s0] =	ssyncadd.s32 @!p1 $0xFFFFFFF0;
	p1 =	sne.s32 s24, s12  }
.Ltmp6:
0x97: {  	s2 =	sadd.s32 $0x1F40, s23;
	(pc) =	sbr.rel @!p1 .LBB3_10-.Ltmp6, $4  }
0x98: {  	s22 =	smov.u32 s3;
	s31 =	sadd.s32 $0x1, s24;
	s17 =	sadd.s32 $0x1F40, s17  }
0x99: {  	s18 =	sadd.s32 $0x1, s18;
	s25 =	smov.u32 s23;
	p2 =	slt.s32 s2, s4  }
0x9a: {  	p0 =	por !p0, !p0;
	s19 =	sadd.s32 $0x1F40, s19;
	s22 =	smov.u32 @p2 s2  }
0x9b: {  	s20 =	sadd.s32 $0x1, s20;
	s23 =	smov.u32 s22;
	s24 =	smov.u32 s31  }
.LBB3_1:
0x9c: {  	p1 =	sge.u32 s24, s9  }
0x9d: {  	s0 =	smulhi.u32 @!p1 $0xAAAAAAAB, s24;
	_ =	sdelay $0x1  }
0x9e: {  	s0 =	sshrl.u32 @!p1 s0, $0x1  }
0x9f: {  	s0 =	smul.u32 @!p1 $0x3, s0;
	_ =	sdelay $0x1  }
0xa0: {  	s0 =	ssub.s32 @!p1 s24, s0  }
0xa1: {  	s0 =	smul.u32 @!p1 $0x7D00, s0;
	_ =	sdelay $0x1  }
0xa2: {  	s2 =	sshrl.u32 @!p1 s23, $0x3;
	s0 =	sshrl.u32 @!p1 s0, $0x2  }
0xa3: {  	s22 =	sand.u32 @!p1 $0x7, s23;
	s2 =	sadd.s32 @!p1 s5, s2;
	s0 =	sadd.s32 @!p1 $0x100, s0  }
0xa4: {  	[tilespmem:s0], [sflag:$0x7] =	stream.linear.gather @!p1 [hbm4b:s2+s22], $0x1F40, $0x38;
	[tilespmem:$0x11A60] =	vst v63  }
0xa5: {  	s0 =	sadd.s32 $0xFFFFFFFF, s24  }
0xa6: {  	p1 =	sge.u32 s0, s9  }
.Ltmp7:
0xa7: {  	_ = 	snop;
	(pc) =	sbr.rel @p1 .LBB3_5-.Ltmp7, $1  }
0xa8: {  	_ =	sdelay $0x3  }
0xa9: {  	s2 =	smulhi.u32 $0xAAAAAAAB, s0;
	_ =	sdelay $0x1  }
0xaa: {  	s2 =	sshrl.u32 s2, $0x1  }
0xab: {  	s2 =	smul.u32 $0x3, s2;
	_ =	sdelay $0x1  }
0xac: {  	s2 =	ssub.s32 s0, s2  }
0xad: {  	s2 =	smul.u32 $0x7D00, s2  }
0xae: {  	_ =	swait.ge [sflag:s7], $0x1F40  }
0xaf: {  	[sflag:s7] =	ssyncset.done $0x0;
	s2 =	sshrl.u32 s2, $0x2  }
0xb0: {  	[sflag:s7] =	ssyncadd.s32 $0xFFFFE0C0;
	(ifvalue) =	ssetifvalue $0xFFFFFFFF;
	v3 =	vld.msk [tilespmem:s2+$0x100 ss:$0x1], $0xffff;
	_ =	sdelay $0x2  }
0xb1: {  	s30 =	smulhi.u32 $0xAAAAAAAB, s18;
	p1 =	sne.s32 s24, $0x1  }
0xb2: {  	v4 =	vimm.s32 @!p1 $0x0  }
0xb3: {  	s2 =	sshrl.u32 s30, $0x1;
	v4 =	vperm.xlane @!p1 v3, v4  }
0xb4: {  	s22 =	sshll.u32 s24, $0x4;
	s2 =	smul.u32 $0xFFFE8900, s2;
	vm4 =	vlt.u32 v3, $0x258000  }
0xb5: {  	s22 =	sand.u32 $0x10, s22;
	v3 =	vnsel vm4, $0xFFFFFFFE, v3;
	vm4 =	vlt.u32 @!p1 v4, $0x258000  }
0xb6: {  	s2 =	sshra.s32 s2, $0x2;
	[tilespmem:s22+$0x60] =	vst v3;
	v3 =	vnsel @!p1 vm4, $0xFFFFFFFE, v4  }
0xb7: {  	s28 =	sadd.s32 s2, s17;
	[tilespmem:$0x80] =	vst @!p1 v3  }
0xb8: {  	v3 =	vld.msk [tilespmem:s28+$0x0 ss:$0x1], $0xffff;
	_ =	sdelay $0x4  }
0xb9: {  	(xrf1) =	vunique.msk.u32 $0xffff, v3;
	_ =	sdelay $0xd  }
0xba: {  	v4 =	vimm.s32 $0xFFFFFFFF;
	v5, _, _ =	vpop (xrf1)  }
0xbb: {  	vm5 =	vne.s32 v3, v4;
	vm4 =	veq.s32 v5, v2  }
0xbc: {  	vm6 =	vlt.u32 v3, $0x258000;
	vm4 =	vmand vm5, vm4  }
0xbd: {  	vm4 =	vmand vm6, vm4  }
0xbe: {  	v4 =	vnsel vm4, $0xFFFFFFFF, v3  }
0xbf: {  	s31 =	sand.u32 $0x1, s0  }
0xc0: {  	s0 =	simm.s32 $0x1F40;
	p1 =	seq.s32 s31, $0x1  }
0xc1: {  	s0 =	simm.s32 @!p1 $0x0  }
0xc2: {  	s26 =	sadd.s32 $0x7DF0, s0;
	(ifvalue) =	ssetifvalue $0xFFFFFFFF  }
0xc3: {  	v3 =	vperm.xlane v3, v1;
	[tilespmem:s26], [sflag:$0x8] =	stream.indirect_vreg.gather [hbm4b:s1+s16], $0x1, v4, vm0, $0x4038;
	v4 =	vnsel vm6, $0xFFFFFFFE, v4;
	[tilespmem:$0x11A60] =	vst v63  }
0xc4: {  	s2 =	simm.s32 $0x0;
	s22 =	sadd.s32 $0xFFFFFFF0, s28;
	[tilespmem:s28+$0x0] =	vst v4  }
.LBB3_3:
0xc5: {  	v4 =	vld.msk [tilespmem:s22+$0x0 ss:$0x1], $0xffff;
	s2 =	sadd.s32 $0x10, s2;
	v5 =	vmov v3;
	s28 =	smov.u32 s22  }
0xc6: {  	p1 =	slt.u32 s2, $0x1F30;
	_ =	sdelay $0x4  }
0xc7: {  	v3 =	vperm.xlane v4, v1;
	(xrf1) =	vunique.msk.u32 $0xffff, v4;
	_ =	sdelay $0xd  }
0xc8: {  	v6, _, _ =	vpop (xrf1)  }
0xc9: {  	vm5 =	vne.s32 v4, v5;
	vm4 =	veq.s32 v6, v2  }
0xca: {  	vm6 =	vlt.u32 v4, $0x258000;
	vm4 =	vmand vm5, vm4  }
0xcb: {  	vm4 =	vmand vm6, vm4  }
0xcc: {  	v4 =	vnsel vm4, $0xFFFFFFFF, v4  }
.Ltmp8:
0xcd: {  	v5 =	vnsel vm6, $0xFFFFFFFE, v4;
	(pc) =	sbr.rel @p1 .LBB3_3-.Ltmp8, $3  }
0xce: {  	_ =	sdelay $0x1  }
0xcf: {  	s22 =	sadd.s32 $0xFFFFFFF0, s22;
	s26 =	sadd.s32 $0xFFFFFFF0, s26;
	(ifvalue) =	ssetifvalue $0xFFFFFFFF  }
0xd0: {  	[tilespmem:s26], [sflag:$0x8] =	stream.indirect_vreg.gather [hbm4b:s1+s16], $0x1, v4, vm0, $0x4038;
	[tilespmem:s28+$0x0] =	vst v5  }
0xd1: {  	s2 =	sshrl.u32 s25, $0x3  }
0xd2: {  	s0 =	sadd.s32 $0x9D40, s0;
	s2 =	sadd.s32 s6, s2  }
0xd3: {  	[tilespmem:s0], [sflag:$0x8] =	stream.linear.gather [hbm:s2], $0x1F40, $0x38;
	[tilespmem:$0x11A60] =	vst v63  }
.LBB3_5:
0xd4: {  	p1 =	slt.u32 s24, $0x2  }
0xd5: {  	p2 =	sge.u32 @!p1 s24, s12  }
0xd6: {  	p1 =	por p1, p2  }
.Ltmp9:
0xd7: {  	_ = 	snop;
	(pc) =	sbr.rel @p1 .LBB3_9-.Ltmp9, $1  }
0xd8: {  	_ =	sdelay $0x3  }
0xd9: {  	s0 =	sadd.s32 $0xFFFFFFFE, s24  }
0xda: {  	s2 =	smulhi.u32 $0xAAAAAAAB, s0;
	_ =	sdelay $0x1  }
0xdb: {  	s2 =	sshrl.u32 s2, $0x1  }
0xdc: {  	s2 =	smul.u32 $0x3, s2;
	_ =	sdelay $0x1  }
0xdd: {  	s0 =	ssub.s32 s0, s2  }
0xde: {  	_ =	swait.ge [sflag:s8], $0x3E80;
	s0 =	smul.u32 $0x1F40, s0  }
0xdf: {  	p1 =	sne.s32 s24, s11;
	[sflag:s8] =	ssyncset.done $0x0  }
0xe0: {  	[sflag:s8] =	ssyncadd.s32 $0xFFFFC180;
	s2 =	sadd.s32 @!p1 $0x203F, s0  }
0xe1: {  	[spmem:s13] =	stream.linear.scatter @!p1 [tilespmem:s2], [sflag:$0x1], $0x1, $0x38;
	[tilespmem:$0x11A60] =	vst v63  }
0xe2: {  	s2 =	simm.s32 @!p1 $0x1  }
0xe3: {  	_ =	swait.ge @!p1 [sflag:s2], $0x1  }
0xe4: {  	s22 =	sshll.u32 s24, $0x4;
	[sflag:s2] =	ssyncset.done @!p1 $0x0  }
0xe5: {  	s25 =	sand.u32 $0x10, s22;
	[sflag:s2] =	ssyncadd.s32 @!p1 $0xFFFFFFFF  }
0xe6: {  	s2 =	sxor.u32 $0x10, s25;
	v4 =	vld [tilespmem:s25+$0x10]  }
0xe7: {  	v5 =	vld [tilespmem:s2+$0x60]  }
0xe8: {  	v3 =	vld [tilespmem:$0x80];
	_ =	sdelay $0x2  }
0xe9: {  	(v2sf) =	vpush v4, $0x0  }
0xea: {  	(v2sf) =	vpush v5, $0x0  }
0xeb: {  	(v2sf) =	vpush v3, $0x0;
	_ =	sdelay $0xc  }
0xec: {  	s22 =	spop (v2sf)  }
0xed: {  	s26 =	spop (v2sf)  }
0xee: {  	s28 =	spop (v2sf)  }
0xef: {  	p2 =	seq.s32 s22, s26;
	p3 =	seq.s32 s28, s22  }
0xf0: {  	p3 =	por p2, p3  }
0xf1: {  	s26 =	sand.u32 $0x1, s24;
	v4 =	vpsel p3, $0xFFFFFFFF, v4  }
0xf2: {  	s29 =	smul.u32 $0x1F40, s26;
	[tilespmem:s25+$0x10] =	vst.msk $0x1, v4  }
0xf3: {  	v4 =	vld [tilespmem:$0x30]  }
0xf4: {  	v5 =	vld [tilespmem:s29+$0x9D40]  }
0xf5: {  	v6 =	vld [tilespmem:s25+$0x40];
	_ =	sdelay $0x3  }
0xf6: {  	vm4 =	vmmov vm1;
	v5 =	vadd.f32 v5, v4  }
0xf7: {  	vm5 =	vmmov vm2;
	vm4 =	vmmov @p2 vm2;
	s22 =	sshll.u32 s26, $0x4;
	v4 =	vadd.f32 v6, v4  }
0xf8: {  	s26 =	sor.u32 $0x11A40, s22;
	vm5 =	vmmov @p3 vm1;
	[tilespmem:s29+$0x9D40] =	vst.msk vm4, v5  }
0xf9: {  	[tilespmem:s26+$0x0] =	vst.msk vm5, v4  }
0xfa: {  	v4 =	vld [tilespmem:s29+$0x7DF0];
	_ =	sdelay $0x3  }
0xfb: {  	v5 =	vimm.f32 $0.0e+00  }
0xfc: {  	v4 =	vshift.insert v4, v5, s21  }
0xfd: {  	s22 =	sor.u32 $0x40, s2  }
0xfe: {  	[tilespmem:s22+$0x0] =	vst.msk $0x1, v4  }
0xff: {  	[tilespmem:s29+$0x7DFF] =	vst.msk $0x1, v5  }
0x100: {  	v4 =	vld [tilespmem:s0+$0x2030];
	_ =	sdelay $0x1  }
0x101: {  	s22 =	smulhi.u32 $0xAAAAAAAB, s20;
	s0 =	simm.s32 $0x1  }
0x102: {  	s0 =	simm.s32 @!p0 $0x0  }
0x103: {  	s22 =	sshrl.u32 s22, $0x1;
	s0 =	smul.u32 $0x7D00, s0  }
0x104: {  	s22 =	smul.u32 $0xFFFE8900, s22;
	v4 =	vshift.insert v4, v1, s21  }
0x105: {  	s0 =	sshrl.u32 s0, $0x2  }
0x106: {  	s22 =	sshra.s32 s22, $0x2;
	s30 =	sadd.s32 $0x9D40, s0;
	[tilespmem:s2+$0x10] =	vst.msk $0x1, v4  }
0x107: {  	s22 =	sadd.s32 s22, s19;
	v6 =	vld [tilespmem:s30+$0x0]  }
0x108: {  	v7 =	vld [tilespmem:s22+$0x0];
	_ =	sdelay $0x3  }
0x109: {  	v5 =	vadd.f32 v6, v5  }
0x10a: {  	vm4 =	vne.s32 v7, $0xFFFFFFFF  }
0x10b: {  	(xrf2) =	vadd.seg.scan.f32 vm4, v5;
	_ =	sdelay $0x3  }
0x10c: {  	s31 =	sadd.s32 $0x5EC0, s0;
	v5 =	vperm.xlane v4, v1  }
0x10d: {  	v6 =	vld [tilespmem:s31+$0x0]  }
0x10e: {  	vm5 =	veq.s32 v7, v3;
	vm6 =	veq.s32 v7, v5  }
0x10f: {  	vm7 =	vgt.u32 v7, $0xFFFFFFFD;
	vm6 =	vmor vm6, vm5  }
0x110: {  	vm6 =	vmor vm6, vm7  }
0x111: {  	v9 =	vld [tilespmem:$0xA0];
	v7 =	vsel vm6, $0xFFFFFFFF, v7  }
0x112: {  	v10 =	vld [tilespmem:$0x90];
	v6 =	vsel vm5, $0x0, v6;
	v8, _, _ =	vpop (xrf2)  }
0x113: {  	v6 =	vadd.f32 v8, v6  }
0x114: {  	s0 =	sadd.s32 $0xDBC0, s0  }
0x115: {  	vm4 =	vmand vm4, vm3;
	[tilespmem:s0+$0x0] =	vst v6;
	(ifvalue) =	ssetifvalue $0xFFFFFFFF  }
0x116: {  	vm6 =	veq.s32 v9, $0x1;
	[hbm4b:s1+s16] =	stream.indirect_vreg.scatter [tilespmem:s0], [sflag:$0x2], $0x1, v7, vm0, $0x4038;
	v7 =	vsel vm4, $0x0, v8;
	[tilespmem:$0x11A60] =	vst v63  }
0x117: {  	s2 =	simm.s32 $0x0;
	s22 =	sadd.s32 $0x10, s22;
	vm4 =	vmor vm6, vm5;
	v6 =	vsel vm5, v8, v10;
	v7 =	vshift.insert v7, v0, s21  }
.LBB3_7:
0x118: {  	v8 =	vld [tilespmem:s22+$0x0];
	s30 =	sadd.s32 $0x10, s30  }
0x119: {  	s31 =	sadd.s32 $0x10, s31;
	v9 =	vld [tilespmem:s30+$0x0]  }
0x11a: {  	s2 =	sadd.s32 $0x10, s2;
	v10 =	vld [tilespmem:s31+$0x0]  }
0x11b: {  	p2 =	slt.u32 s2, $0x1F30;
	_ =	sdelay $0x2  }
0x11c: {  	v7 =	vadd.f32 v9, v7  }
0x11d: {  	vm5 =	vne.s32 v8, $0xFFFFFFFF  }
0x11e: {  	vm6 =	vmand vm5, vm3;
	(xrf2) =	vadd.seg.scan.f32 vm5, v7;
	_ =	sdelay $0x5  }
0x11f: {  	vm7 =	veq.s32 v8, v5;
	vm5 =	veq.s32 v8, v3  }
0x120: {  	vm8 =	vgt.u32 v8, $0xFFFFFFFD;
	vm4 =	vmor vm4, vm5;
	vm7 =	vmor vm7, vm5  }
0x121: {  	vm7 =	vmor vm7, vm8  }
0x122: {  	v8 =	vsel vm7, $0xFFFFFFFF, v8  }
.Ltmp10:
0x123: {  	v7 =	vsel vm5, $0x0, v10;
	v9, _, _ =	vpop (xrf2);
	(pc) =	sbr.rel @p2 .LBB3_7-.Ltmp10, $4  }
0x124: {  	v6 =	vsel vm5, v9, v6;
	v10 =	vadd.f32 v9, v7;
	v7 =	vsel vm6, $0x0, v9  }
0x125: {  	s0 =	sadd.s32 $0x10, s0;
	v7 =	vshift.insert v7, v0, s21  }
0x126: {  	s22 =	sadd.s32 $0x10, s22;
	[tilespmem:s0+$0x0] =	vst v10;
	(ifvalue) =	ssetifvalue $0xFFFFFFFF  }
0x127: {  	[hbm4b:s1+s16] =	stream.indirect_vreg.scatter [tilespmem:s0], [sflag:$0x2], $0x1, v8, vm0, $0x4038;
	[tilespmem:$0x11A60] =	vst v63  }
0x128: {  	v3 =	vld [tilespmem:s29+$0xFAF0];
	_ =	sdelay $0x4  }
0x129: {  	v3 =	vshift.insert v3, v0, s21  }
0x12a: {  	s0 =	simm.s32 $0x30  }
0x12b: {  	[tilespmem:s0+$0x0] =	vst.msk $0x1, v3  }
0x12c: {  	v3 =	vsel vm4, $0x1, v1;
	[tilespmem:$0x90] =	vst v6  }
0x12d: {  	s0 =	sadd.s32 @!p1 $0xFAFF, s29;
	[tilespmem:$0xA0] =	vst v3  }
0x12e: {  	[spmem:s14] =	stream.linear.scatter @!p1 [tilespmem:s0], [sflag:$0x1], $0x1, $0x38;
	[tilespmem:$0x11A60] =	vst v63  }
0x12f: {  	s0 =	simm.s32 @!p1 $0x1  }
0x130: {  	v3 =	vmctz.xlane @!p1 vm4;
	_ =	swait.ge @!p1 [sflag:s0], $0x1  }
0x131: {  	(v2sf) =	vpush @!p1 v4, $0x0  }
0x132: {  	(v2sf) =	vpush @!p1 v3, $0x0;
	_ =	sdelay $0xd  }
0x133: {  	s2 =	spop @!p1 (v2sf)  }
0x134: {  	s22 =	spop @!p1 (v2sf)  }
0x135: {  	p2 =	sne.s32 @!p1 s28, s2;
	p3 =	slt.s32 @!p1 s22, $0xF  }
0x136: {  	[sflag:s0] =	ssyncset.done @!p1 $0x0;
	p2 =	por p2, p1;
	p3 =	por !p3, p1  }
0x137: {  	[sflag:s0] =	ssyncadd.s32 @!p1 $0xFFFFFFFF;
	v3 =	vimm.s32 @!p2 $0xFFFFFFFF;
	s22 =	simm.s32 @p3 $0xF  }
0x138: {  	[tilespmem:$0x80] =	vst @!p2 v3;
	s2 =	sadd.s32 @!p1 $0x90, s22  }
0x139: {  	[spmem:s10] =	stream.linear.scatter @!p1 [tilespmem:s2], [sflag:$0x1], $0x1, $0x38;
	[tilespmem:$0x11A60] =	vst v63  }
0x13a: {  	_ =	swait.ge @!p1 [sflag:s0], $0x1  }
0x13b: {  	[sflag:s0] =	ssyncset.done @!p1 $0x0  }
0x13c: {  	s2 =	simm.s32 @!p1 $0x80;
	[sflag:s0] =	ssyncadd.s32 @!p1 $0xFFFFFFFF  }
0x13d: {  	[spmem:s15] =	stream.linear.scatter @!p1 [tilespmem:s2], [sflag:$0x1], $0x1, $0x38;
	[tilespmem:$0x11A60] =	vst v63  }
0x13e: {  	_ =	swait.ge @!p1 [sflag:s0], $0x1  }
0x13f: {  	[sflag:s0] =	ssyncset.done @!p1 $0x0  }
0x140: {  	[sflag:s0] =	ssyncadd.s32 @!p1 $0xFFFFFFFF;
	(ifvalue) =	ssetifvalue $0xFFFFFFFF;
	v3 =	vld [tilespmem:s25+$0x10];
	_ =	sdelay $0x3  }
.Ltmp11:
0x141: {  	_ = 	snop;
	(pc) =	sbr.rel .LBB3_9-.Ltmp11, $3  }
0x142: {  	_ =	sdelay $0x1  }
0x143: {  	(ifvalue) =	ssetifvalue $0xFFFFFFFF  }
0x144: {  	[hbm4b:s1+s16] =	stream.indirect_vreg.scatter [tilespmem:s26], [sflag:$0x9], $0x1, v3, vm0, $0x4038;
	[tilespmem:$0x11A60] =	vst v63  }
.LBB3_10:
0x145: {  	_ =	sfence.sel $0x180000  }
0x146: {  	s0 =	simm.s32 $0x7;
	[bflag:$0x0] =	sbarrier.arrive $0xFFFF  }
0x147: {  	s26 =	simm.s32 $0x8;
	[sflag:s0] =	ssyncpa.u1 $0x1  }
0x148: {  	s28 =	simm.s32 $0x9;
	[sflag:s26] =	ssyncpa.u1 $0x1  }
0x149: {  	[sflag:s28] =	ssyncpa.u1 $0x1  }
0x14a: {  	_ =	sfence.stream.spmem  }
0x14b: {  	s29 =	simm.s32 $0x3;
	[bflag:$0x0] =	sbarrier.arrive $0xFFFF  }
0x14c: {  	s30 =	simm.s32 $0x4;
	[sflag:s29] =	ssyncpa.u1 $0x1  }
0x14d: {  	s31 =	simm.s32 $0x3C;
	s2 =	stileid.u32;
	[sflag:s30] =	ssyncpa.u1 $0x1  }
0x14e: {  	p0 =	sne.s32 s2, $0x0;
	[sflag:s31] =	ssyncpa.u1 $0x1  }
0x14f: {  	s0 =	simm.s32 @p0 $0x1;
	_ =	sfence @p0  }
0x150: {  	[sflag:s0] =	ssyncpa.u1 @p0 $0x1;
	s0 =	simm.s32 @p0 $0x2  }
0x151: {  	[sflag:s0] =	ssyncpa.u1 @p0 $0x1  }
0x152: {  	_ =	strace @p0 $0x9000004A  }
0x153: {  	[bflag:$0x2] =	sbarrier.arrive @p0 $0xFFFF  }
0x154: {  	_ =	shalt @p0  }
.LBB3_11:
0x155: {  	_ =	sfence.stream.spmem;
	s0 =	simm.s32 $0x5  }
0x156: {  	s2 =	simm.s32 $0x80;
	s3 =	simm.s32 $0xC0;
	[sflag:s0] =	ssyncpa.u1 $0x0  }
0x157: {  	[tilespmem:s3], [sflag:$0x5] =	stream.linear.gather [spmem:s2], $0x20, $0x38;
	[tilespmem:$0x11A60] =	vst v63  }
0x158: {  	s2 =	simm.s32 $0x0;
	s3 =	simm.s32 $0xE0  }
0x159: {  	[tilespmem:s3], [sflag:$0x5] =	stream.linear.gather [spmem:s2], $0x20, $0x38;
	[tilespmem:$0x11A60] =	vst v63  }
.Ltmp12:
0x15a: {  	_ = 	snop;
	(pc) =	sbr.rel .LBB3_12-.Ltmp12, $4  }
0x15b: {  	_ =	swait.ge [sflag:s0], $0x40  }
0x15c: {  	[sflag:s0] =	ssyncset.done $0x0  }
0x15d: {  	s31 =	simm.s32 $0x6;
	[sflag:s0] =	ssyncadd.s32 $0xFFFFFFC0  }
0x15e: {  	s4 =	simm.s32 $0x0;
	[sflag:s31] =	ssyncpa.u1 $0x0  }
.LBB3_17:
0x15f: {  	p0 =	sgt.u32 s5, $0x257FFF  }
0x160: {  	s0 =	sshrl.u32 @!p0 s5, $0x3  }
0x161: {  	s5 =	sand.u32 @!p0 $0x7, s5;
	s6 =	simm.s32 @!p0 $0xB0;
	s0 =	sadd.s32 @!p0 s1, s0  }
0x162: {  	[tilespmem:s6], [sflag:$0x6] =	stream.linear.gather @!p0 [hbm4b:s0+s5], $0x1, $0x38;
	[tilespmem:$0x11A60] =	vst v63  }
0x163: {  	s0 =	simm.s32 @!p0 $0x6  }
0x164: {  	_ =	swait.ge @!p0 [sflag:s0], $0x1  }
0x165: {  	[sflag:s0] =	ssyncset.done @!p0 $0x0  }
0x166: {  	[sflag:s0] =	ssyncadd.s32 @!p0 $0xFFFFFFFF  }
0x167: {  	v2 =	vmov @!p0 s4;
	v1 =	vld.msk @!p0 [tilespmem:$0xB0], $0x1;
	_ =	sdelay $0x3  }
0x168: {  	s0 =	simm.s32 @!p0 $0xE0  }
0x169: {  	[tilespmem:v2+s0+$0x0], v1 =	vst.idx.ret.add.f32.msk @!p0 $0x1, v1  }
0x16a: {  	[tilespmem:s2+$0xC0] =	vst.msk $0x1, v0  }
0x16b: {  	v0 =	vld.msk [tilespmem:s4+$0xE0], $0x1;
	_ =	sdelay $0x4  }
0x16c: {  	[tilespmem:s2+$0xE0] =	vst.msk $0x1, v0;
	s2 =	sadd.s32 $0x1, s2  }
.LBB3_19:
0x16d: {  	s4 =	sadd.s32 $0x1, s4  }
0x16e: {  	p0 =	sne.s32 s4, $0x20  }
.Ltmp13:
0x16f: {  	_ = 	snop;
	(pc) =	sbr.rel @!p0 .LBB3_20-.Ltmp13, $1  }
0x170: {  	_ =	sdelay $0x3  }
.LBB3_12:
0x171: {  	v0 =	vld.msk [tilespmem:s4+$0xC0], $0x1;
	_ =	sdelay $0x4  }
0x172: {  	(v2sf) =	vpush v0, $0x0;
	_ =	sdelay $0xe  }
0x173: {  	s5 =	spop (v2sf)  }
0x174: {  	p0 =	seq.s32 s5, $0xFFFFFFFF  }
.Ltmp14:
0x175: {  	_ = 	snop;
	(pc) =	sbr.rel @p0 .LBB3_19-.Ltmp14, $1  }
0x176: {  	_ =	sdelay $0x3  }
0x177: {  	p0 =	slt.s32 s2, $0x1  }
.Ltmp15:
0x178: {  	_ = 	snop;
	(pc) =	sbr.rel @p0 .LBB3_17-.Ltmp15, $1  }
0x179: {  	_ =	sdelay $0x3  }
0x17a: {  	s0 =	simm.s32 $0xC0;
	p0 =	por $0x0, $0x0  }
0x17b: {  	v1 =	vld.msk @!p0 [tilespmem:s0+$0x0], $0x1;
	_ =	sdelay $0x4  }
0x17c: {  	(v2sf) =	vpush @!p0 v1, $0x0;
	_ =	sdelay $0xd  }
0x17d: {  	p2 =	sne.s32 s2, $0x1  }
.Ltmp16:
0x17e: {  	s6 =	spop @!p0 (v2sf);
	(pc) =	sbr.rel @!p2 .LBB3_16-.Ltmp16, $4  }
0x17f: {  	p1 =	seq.s32 @!p0 s5, s6  }
0x180: {  	s6 =	simm.s32 $0x0;
	p1 =	por !p1, p0  }
0x181: {  	s8 =	simm.s32 $0xFFFFFFFF;
	s6 =	simm.s32 @p1 $0xFFFFFFFF  }
0x182: {  	s7 =	simm.s32 $0x1;
	s6 =	smov.u32 @p0 s8  }
.LBB3_15:
0x183: {  	s8 =	smov.u32 s6;
	p0 =	sne.s32 s6, $0xFFFFFFFF  }
0x184: {  	s0 =	sadd.s32 $0x1, s0;
	s6 =	smov.u32 s7;
	s7 =	sadd.s32 $0x1, s7  }
0x185: {  	p1 =	sne.s32 s2, s7;
	v1 =	vld.msk @!p0 [tilespmem:s0+$0x0], $0x1;
	_ =	sdelay $0x4  }
0x186: {  	(v2sf) =	vpush @!p0 v1, $0x0;
	_ =	sdelay $0xe  }
.Ltmp17:
0x187: {  	s9 =	spop @!p0 (v2sf);
	(pc) =	sbr.rel @p1 .LBB3_15-.Ltmp17, $4  }
0x188: {  	p2 =	seq.s32 @!p0 s5, s9  }
0x189: {  	p2 =	por !p2, p0  }
0x18a: {  	s6 =	simm.s32 @p2 $0xFFFFFFFF  }
0x18b: {  	s6 =	smov.u32 @p0 s8  }
.LBB3_16:
0x18c: {  	p0 =	sne.s32 s6, $0xFFFFFFFF  }
.Ltmp18:
0x18d: {  	_ = 	snop;
	(pc) =	sbr.rel @!p0 .LBB3_17-.Ltmp18, $1  }
0x18e: {  	_ =	sdelay $0x3  }
0x18f: {  	v0 =	vld.msk [tilespmem:s4+$0xE0], $0x1;
	v1 =	vmov s6  }
.Ltmp19:
0x190: {  	_ = 	snop;
	(pc) =	sbr.rel .LBB3_19-.Ltmp19, $2  }
0x191: {  	_ =	sdelay $0x2  }
0x192: {  	[tilespmem:v1+s3+$0x0], v0 =	vst.idx.ret.add.f32.msk $0x1, v0  }
.LBB3_20:
0x193: {  	p0 =	slt.s32 s2, $0x1  }
.Ltmp20:
0x194: {  	_ = 	snop;
	(pc) =	sbr.rel @p0 .LBB3_24-.Ltmp20, $3  }
0x195: {  	_ =	sdelay $0x1  }
0x196: {  	s0 =	simm.s32 $0x6  }
0x197: {  	s3 =	simm.s32 $0x0;
	[sflag:s0] =	ssyncpa.u1 $0x1  }
0x198: {  	s0 =	simm.s32 $0xC0  }
0x199: {  	v0 =	vld.msk [tilespmem:s0+$0x0], $0x1;
	_ =	sdelay $0x4  }
0x19a: {  	(v2sf) =	vpush v0, $0x0;
	_ =	sdelay $0xe  }
0x19b: {  	s2 =	sadd.s32 $0xFFFFFFFF, s2;
	s4 =	spop (v2sf)  }
0x19c: {  	p1 =	sne.s32 s2, $0x0;
	p0 =	sgt.u32 s4, $0x257FFF  }
.Ltmp21:
0x19d: {  	s5 =	sshrl.u32 @!p0 s4, $0x3;
	(pc) =	sbr.rel @!p1 .LBB3_23-.Ltmp21, $4  }
0x19e: {  	s0 =	simm.s32 $0xE0;
	s4 =	sand.u32 @!p0 $0x7, s4;
	s5 =	sadd.s32 @!p0 s1, s5  }
0x19f: {  	[hbm4b:s5+s4] =	stream.linear.scatter @!p0 [tilespmem:s0], [sflag:$0x5], $0x1, $0x38;
	[tilespmem:$0x11A60] =	vst v63  }
0x1a0: {  	s5 =	simm.s32 $0x0  }
0x1a1: {  	s4 =	simm.s32 $0xC1;
	s5 =	simm.s32 @!p0 $0x4  }
.LBB3_22:
0x1a2: {  	v0 =	vld.msk [tilespmem:s4+$0x0], $0x1;
	s2 =	sadd.s32 $0xFFFFFFFF, s2;
	s3 =	sadd.s32 s3, s5  }
0x1a3: {  	p0 =	sne.s32 s2, $0x0;
	_ =	sdelay $0x3  }
0x1a4: {  	(v2sf) =	vpush v0, $0x0;
	_ =	sdelay $0xe  }
.Ltmp22:
0x1a5: {  	s6 =	spop (v2sf);
	(pc) =	sbr.rel @p0 .LBB3_22-.Ltmp22, $4  }
0x1a6: {  	s5 =	simm.s32 $0x0;
	p1 =	sgt.u32 s6, $0x257FFF  }
0x1a7: {  	s0 =	sadd.s32 $0x1, s0;
	s5 =	simm.s32 @!p1 $0x4;
	s7 =	sshrl.u32 @!p1 s6, $0x3  }
0x1a8: {  	s4 =	sadd.s32 $0x1, s4;
	s6 =	sand.u32 @!p1 $0x7, s6;
	s7 =	sadd.s32 @!p1 s1, s7  }
0x1a9: {  	[hbm4b:s7+s6] =	stream.linear.scatter @!p1 [tilespmem:s0], [sflag:$0x5], $0x1, $0x38;
	[tilespmem:$0x11A60] =	vst v63  }
.LBB3_23:
0x1aa: {  	s0 =	sadd.s32 s3, s5  }
0x1ab: {  	s3 =	sshrl.u32 s0, $0x2  }
.LBB3_24:
0x1ac: {  	s0 =	simm.s32 $0x5  }
0x1ad: {  	_ =	swait.ge [sflag:s0], s3  }
0x1ae: {  	s1 =	ssub.s32 $0x0, s3;
	[sflag:s0] =	ssyncset.done $0x0  }
0x1af: {  	[sflag:s0] =	ssyncadd.s32 s1  }
0x1b0: {  	[sflag:s0] =	ssyncpa.u1 $0x1  }
0x1b1: {  	s29 =	simm.s32 $0x1;
	_ =	sfence  }
0x1b2: {  	s30 =	simm.s32 $0x2;
	[sflag:s29] =	ssyncpa.u1 $0x1  }
0x1b3: {  	[sflag:s30] =	ssyncpa.u1 $0x1  }
0x1b4: {  	_ =	strace $0x9000004A  }
0x1b5: {  	[bflag:$0x2] =	sbarrier.arrive $0xFFFF  }
0x1b6: {  	s31 =	rddreg [dreg:$0x1]  }
0x1b7: {  	s0 =	sadd.s32 $0x100000, s31  }
0x1b8: {  	[sflag:s0] =	ssyncadd.tile.s32 $0x1;
	_ =	shalt  }
.Lfunc_end3:
_tile_overlayer_lowered:
.L_overlay_start_3:
0x1b9: {  	(tag) =	ssettag $0x3  }
0x1ba: {  	s0 =	rddreg [dreg:$0x0];
	s2 =	stileid.u32  }
0x1bb: {  	s1 =	rddreg [dreg:$0x1];
	p0 =	sne.s32 s2, $0x0  }
0x1bc: {  	s3 =	rddreg [dreg:$0x2];
	[bflag:$0x3] =	sbarrier.arrive $0xFFFF;
	s2 =	simm.s32 @!p0 $0x1C01  }
0x1bd: {  	[timem:s3], [sflag:s2] =	dma.local @!p0 [hbm:s0], s1  }
0x1be: {  	s0 =	simm.s32 @!p0 $0x1  }
0x1bf: {  	_ =	swait.ge @!p0 [sflag:s0], s1  }
0x1c0: {  	s1 =	ssub.s32 @!p0 $0x0, s1;
	[sflag:s0] =	ssyncset.done @!p0 $0x0  }
0x1c1: {  	[sflag:s0] =	ssyncadd.s32 @!p0 s1  }
0x1c2: {  	[bflag:$0x3] =	sbarrier.arrive $0xFFFF  }
0x1c3: {  	_ =	shalt  }

</sc_bundles>
